<compile_context>
chip_gen: v7x
topology: tpu7x:2x2x1
jax: 0.10.2.dev20260603
libtpu: 0.0.44.dev20260713+nightly
codegen_flags: <defaults>
</compile_context>

<pallas_src>
import functools

import jax
import jax.numpy as jnp
from jax import lax
from jax.experimental import pallas as pl
from jax.experimental.pallas import tpu as pltpu
from jax.experimental.pallas import tpu_sc as plsc

B = 16384
NFIELDS = 26
VOCAB = 100000
EDIM = 50
EPAD = 64
CDIM = 13
H1 = 512
H2 = 256
OUT = 1
EPS = 1e-5

NC = 2
NS = 16
NW = NC * NS

NTBL = NFIELDS * VOCAB
NROWS = B * NFIELDS
ROWS_PER_W = NROWS // NW
CHUNK = 128
NCHUNK = ROWS_PER_W // CHUNK
KG = 8
NGRP = NCHUNK // KG


def _sc_gather(table64, idx3d):
    mesh = plsc.VectorSubcoreMesh(core_axis_name="c", subcore_axis_name="s")

    @functools.partial(
        pl.kernel,
        out_type=jax.ShapeDtypeStruct((NROWS, EPAD), jnp.float32),
        mesh=mesh,
        scratch_types=[
            pltpu.VMEM((NCHUNK, CHUNK), jnp.int32),
            pltpu.VMEM((KG, CHUNK, EPAD), jnp.float32),
            pltpu.SemaphoreType.DMA,
        ],
        compiler_params=pltpu.CompilerParams(use_tc_tiling_on_sc=False),
    )
    def gather_kernel(table_hbm, idx_hbm, out_hbm, idx_v, rows_v, gsem):
        wid = lax.axis_index("s") * NC + lax.axis_index("c")
        base = wid * ROWS_PER_W
        pltpu.sync_copy(idx_hbm.at[wid], idx_v)

        @pl.loop(0, NGRP)
        def _grp(g):
            c0 = g * KG
            descs = [
                pltpu.async_copy(
                    table_hbm.at[idx_v.at[c0 + j]], rows_v.at[j], gsem
                )
                for j in range(KG)
            ]
            for j in range(KG):
                descs[j].wait()
                pltpu.sync_copy(
                    rows_v.at[j],
                    out_hbm.at[pl.ds((base + (g * KG + j) * CHUNK), CHUNK)],
                )

    return gather_kernel(table64, idx3d)


BB = 512
NB = B // BB
EW = NFIELDS * EPAD


def _mlp1_kernel(xc_ref, emb_ref, w1c_ref, w1e_ref, b1_ref, h1_ref, st_ref):
    i = pl.program_id(0)
    h = (
        jnp.dot(xc_ref[...], w1c_ref[...], preferred_element_type=jnp.float32)
        + jnp.dot(emb_ref[...], w1e_ref[...], preferred_element_type=jnp.float32)
        + b1_ref[...]
    )
    h1_ref[...] = h
    s = jnp.sum(h, axis=0, keepdims=True)
    ss = jnp.sum(h * h, axis=0, keepdims=True)
    st = jnp.concatenate([s, ss], axis=0)

    @pl.when(i == 0)
    def _():
        st_ref[...] = st

    @pl.when(i > 0)
    def _():
        st_ref[...] = st_ref[...] + st


def _mlp2_kernel(h1_ref, st1_ref, g1_ref, be1_ref, w2_ref, b2_ref, h2_ref, st_ref):
    i = pl.program_id(0)
    mean = st1_ref[0:1, :] * (1.0 / B)
    var = st1_ref[1:2, :] * (1.0 / B) - mean * mean
    inv = lax.rsqrt(var + EPS)
    x = (h1_ref[...] - mean) * (inv * g1_ref[...]) + be1_ref[...]
    x = jnp.maximum(x, 0.0)
    h = jnp.dot(x, w2_ref[...], preferred_element_type=jnp.float32) + b2_ref[...]
    h2_ref[...] = h
    s = jnp.sum(h, axis=0, keepdims=True)
    ss = jnp.sum(h * h, axis=0, keepdims=True)
    st = jnp.concatenate([s, ss], axis=0)

    @pl.when(i == 0)
    def _():
        st_ref[...] = st

    @pl.when(i > 0)
    def _():
        st_ref[...] = st_ref[...] + st


def _mlp3_kernel(h2_ref, st2_ref, g2_ref, be2_ref, w3_ref, b3_ref, out_ref):
    mean = st2_ref[0:1, :] * (1.0 / B)
    var = st2_ref[1:2, :] * (1.0 / B) - mean * mean
    inv = lax.rsqrt(var + EPS)
    x = (h2_ref[...] - mean) * (inv * g2_ref[...]) + be2_ref[...]
    x = jnp.maximum(x, 0.0)
    out_ref[...] = (
        jnp.dot(x, w3_ref[...], preferred_element_type=jnp.float32) + b3_ref[...]
    )


def kernel(x_cont, x_cat, tables, W1, b1, g1, beta1, W2, b2, g2, beta2, W3, b3):
    table64 = jnp.pad(
        tables.reshape(NTBL, EDIM), ((0, 0), (0, EPAD - EDIM))
    )
    offs = (jnp.arange(NFIELDS, dtype=jnp.int32) * VOCAB)[None, :]
    idx3d = (x_cat + offs).reshape(NW, NCHUNK, CHUNK)

    emb64 = _sc_gather(table64, idx3d)
    emb = emb64.reshape(B, EW)

    W1c = W1[:CDIM]
    W1e = jnp.pad(
        W1[CDIM:].reshape(NFIELDS, EDIM, H1),
        ((0, 0), (0, EPAD - EDIM), (0, 0)),
    ).reshape(EW, H1)

    blk = lambda r, c: pl.BlockSpec((r, c), lambda i: (i, 0))
    full = lambda r, c: pl.BlockSpec((r, c), lambda i: (0, 0))

    h1, st1 = pl.pallas_call(
        _mlp1_kernel,
        grid=(NB,),
        in_specs=[
            blk(BB, CDIM),
            blk(BB, EW),
            full(CDIM, H1),
            full(EW, H1),
            full(1, H1),
        ],
        out_specs=[blk(BB, H1), full(2, H1)],
        out_shape=[
            jax.ShapeDtypeStruct((B, H1), jnp.float32),
            jax.ShapeDtypeStruct((2, H1), jnp.float32),
        ],
    )(x_cont, emb, W1c, W1e, b1.reshape(1, H1))

    h2, st2 = pl.pallas_call(
        _mlp2_kernel,
        grid=(NB,),
        in_specs=[
            blk(BB, H1),
            full(2, H1),
            full(1, H1),
            full(1, H1),
            full(H1, H2),
            full(1, H2),
        ],
        out_specs=[blk(BB, H2), full(2, H2)],
        out_shape=[
            jax.ShapeDtypeStruct((B, H2), jnp.float32),
            jax.ShapeDtypeStruct((2, H2), jnp.float32),
        ],
    )(h1, st1, g1.reshape(1, H1), beta1.reshape(1, H1), W2, b2.reshape(1, H2))

    logit = pl.pallas_call(
        _mlp3_kernel,
        grid=(NB,),
        in_specs=[
            blk(BB, H2),
            full(2, H2),
            full(1, H2),
            full(1, H2),
            full(H2, OUT),
            full(1, OUT),
        ],
        out_specs=blk(BB, OUT),
        out_shape=jax.ShapeDtypeStruct((B, OUT), jnp.float32),
    )(h2, st2, g2.reshape(1, H2), beta2.reshape(1, H2), W3, b3.reshape(1, OUT))

    return logit

# --- scband reference (transcript-rebuilt; emitter-appended) ---
"""Pipeline reference for scband-category-embedding-mlp-33054068310754 (READ-ONLY COPY).

The authoritative reference and input builder live on the scoring server;
editing this copy changes nothing except your own understanding.
"""

import jax, jax.numpy as jnp
import numpy as np

B = 16384
NFIELDS = 26
VOCAB = 100000
EDIM = 50
CDIM = 13
H1 = 512
H2 = 256
OUT = 1
EPS = 1e-5


def setup_inputs(seed: int = 0) -> dict:
    key = jax.random.key(seed)
    ks = jax.random.split(key, 16)
    x_cont = jax.random.normal(ks[0], (B, CDIM), dtype=jnp.float32)
    x_cat = jax.random.randint(ks[1], (B, NFIELDS), 0, VOCAB, dtype=jnp.int32)
    # stacked embedding tables (all fields share cardinality/dim): [NFIELDS, VOCAB, EDIM]
    tables = jax.random.normal(ks[2], (NFIELDS, VOCAB, EDIM), dtype=jnp.float32)
    in_dim = CDIM + NFIELDS * EDIM  # 1313
    W1 = jax.random.normal(ks[3], (in_dim, H1), dtype=jnp.float32) * 0.02
    b1 = jnp.zeros((H1,), dtype=jnp.float32)
    g1 = jnp.ones((H1,), dtype=jnp.float32)
    beta1 = jnp.zeros((H1,), dtype=jnp.float32)
    W2 = jax.random.normal(ks[4], (H1, H2), dtype=jnp.float32) * 0.02
    b2 = jnp.zeros((H2,), dtype=jnp.float32)
    g2 = jnp.ones((H2,), dtype=jnp.float32)
    beta2 = jnp.zeros((H2,), dtype=jnp.float32)
    W3 = jax.random.normal(ks[5], (H2, OUT), dtype=jnp.float32) * 0.02
    b3 = jnp.zeros((OUT,), dtype=jnp.float32)
    return {
        "x_cont": x_cont, "x_cat": x_cat, "tables": tables,
        "W1": W1, "b1": b1, "g1": g1, "beta1": beta1,
        "W2": W2, "b2": b2, "g2": g2, "beta2": beta2,
        "W3": W3, "b3": b3,
    }


def _batch_norm(x, gamma, beta):
    # PyTorch BatchNorm1d (training mode): biased batch statistics
    m = jnp.mean(x, axis=0)
    v = jnp.var(x, axis=0)
    return (x - m) / jnp.sqrt(v + EPS) * gamma + beta


def reference(x_cont, x_cat, tables, W1, b1, g1, beta1, W2, b2, g2, beta2, W3, b3):
    # per-field embedding lookup: tables[i][x_cat[:, i]] -> [B, NFIELDS, EDIM]
    emb = jax.vmap(lambda t, idx: jnp.take(t, idx, axis=0), in_axes=(0, 1), out_axes=1)(tables, x_cat)
    emb = emb.reshape(emb.shape[0], NFIELDS * EDIM)
    feat = jnp.concatenate([x_cont, emb], axis=1)
    h = feat @ W1 + b1
    h = _batch_norm(h, g1, beta1)
    h = jax.nn.relu(h)
    h = h @ W2 + b2
    h = _batch_norm(h, g2, beta2)
    h = jax.nn.relu(h)
    logit = h @ W3 + b3
    return logit

if __name__ == "__main__":
    import jax
    _d = setup_inputs()
    print(jax.jit(kernel)(*tuple(_d.values())))

</pallas_src>

<mosaic_0001>
#map = affine_map<(d0, d1) -> (0, 0)>
#map1 = affine_map<(d0, d1) -> (0, 0, 0)>
module attributes {stable_mosaic.version = 14 : i64} {
  func.func @gather_kernel(%arg0: i32, %arg1: i32, %arg2: memref<2600000x64xf32, #tpu.memory_space<hbm>>, %arg3: memref<32x104x128xi32, #tpu.memory_space<hbm>>, %arg4: memref<425984x64xf32, #tpu.memory_space<hbm>>, %arg5: memref<104x128xi32, #tpu.memory_space<vmem>>, %arg6: memref<8x128x64xf32, #tpu.memory_space<vmem>>, %arg7: memref<!tpu.dma_semaphore, #tpu.memory_space<semaphore_mem>>) attributes {dimension_semantics = [#tpu.dimension_semantics<core_parallel>, #tpu.dimension_semantics<subcore_parallel>], iteration_bounds = array<i64: 2, 16>, scalar_prefetch = 0 : i64, scratch_operands = 3 : i64, tpu.core_type = #tpu.core_type<sc_vector_subcore>, window_params = [{transform_indices = #map}, {transform_indices = #map1}, {transform_indices = #map}]} {
    %mul3A = arith.constant 2 : i32
    %mul3A_0 = arith.muli %arg1, %mul3A : i32
    %add3A = arith.addi %mul3A_0, %arg0 : i32
    %mul3A_1 = arith.constant 13312 : i32
    %mul3A_2 = arith.muli %add3A, %mul3A_1 : i32
    "tpu.region"() ({
      %run_scoped3A = tpu.sem_alloc : memref<!tpu.dma_semaphore, #tpu.memory_space<semaphore_mem>>
      %dma_start3A = arith.constant 0 : i32
      %dma_start3A_7 = arith.constant 0 : i32
      %dma_start3A_8 = tpu.memref_slice %arg3[%add3A, %dma_start3A, %dma_start3A_7] : memref<32x104x128xi32, #tpu.memory_space<hbm>> -> memref<1x104x128xi32, #tpu.memory_space<hbm>>
      %dma_start3A_9 = tpu.memref_squeeze %dma_start3A_8 : memref<1x104x128xi32, #tpu.memory_space<hbm>> -> memref<104x128xi32, #tpu.memory_space<hbm>>
      %dma_start3A_10 = arith.constant 0 : i32
      %dma_start3A_11 = arith.constant 0 : i32
      %dma_start3A_12 = tpu.memref_slice %arg3[%add3A, %dma_start3A_10, %dma_start3A_11] : memref<32x104x128xi32, #tpu.memory_space<hbm>> -> memref<1x104x128xi32, #tpu.memory_space<hbm>>
      %dma_start3A_13 = tpu.memref_squeeze %dma_start3A_12 : memref<1x104x128xi32, #tpu.memory_space<hbm>> -> memref<104x128xi32, #tpu.memory_space<hbm>>
      tpu.enqueue_dma source(%dma_start3A_13 : memref<104x128xi32, #tpu.memory_space<hbm>>) target(%arg5 : memref<104x128xi32, #tpu.memory_space<vmem>>) target_semaphore(%run_scoped3A : memref<!tpu.dma_semaphore, #tpu.memory_space<semaphore_mem>>)
      %dma_wait3A = arith.constant 0 : i32
      %dma_wait3A_14 = arith.constant 0 : i32
      %dma_wait3A_15 = tpu.memref_slice %arg3[%add3A, %dma_wait3A, %dma_wait3A_14] : memref<32x104x128xi32, #tpu.memory_space<hbm>> -> memref<1x104x128xi32, #tpu.memory_space<hbm>>
      %dma_wait3A_16 = tpu.memref_squeeze %dma_wait3A_15 : memref<1x104x128xi32, #tpu.memory_space<hbm>> -> memref<104x128xi32, #tpu.memory_space<hbm>>
      %dma_wait3A_17 = arith.constant 0 : i32
      %dma_wait3A_18 = arith.constant 0 : i32
      %dma_wait3A_19 = tpu.memref_slice %arg3[%add3A, %dma_wait3A_17, %dma_wait3A_18] : memref<32x104x128xi32, #tpu.memory_space<hbm>> -> memref<1x104x128xi32, #tpu.memory_space<hbm>>
      %dma_wait3A_20 = tpu.memref_squeeze %dma_wait3A_19 : memref<1x104x128xi32, #tpu.memory_space<hbm>> -> memref<104x128xi32, #tpu.memory_space<hbm>>
      tpu.wait_dma2 semaphore(%run_scoped3A : memref<!tpu.dma_semaphore, #tpu.memory_space<semaphore_mem>>) src(%dma_wait3A_20 : memref<104x128xi32, #tpu.memory_space<hbm>>) dst(%arg5 : memref<104x128xi32, #tpu.memory_space<vmem>>)
      tpu.yield
    }) : () -> ()
    %scan3A = arith.constant 0 : i32
    %scan3A_3 = arith.constant 13 : i32
    %scan3A_4 = arith.addi %scan3A, %scan3A_3 : i32
    %scan3A_5 = arith.constant 1 : i32
    scf.for %scan3A_7 = %scan3A to %scan3A_4 step %scan3A_5  : i32 {
      %mul3A_8 = arith.constant 1 : i32
      %mul3A_9 = arith.muli %scan3A_7, %mul3A_8 : i32
      %add3A_10 = arith.constant 0 : i32
      %add3A_11 = arith.addi %add3A_10, %mul3A_9 : i32
      %mul3A_12 = arith.constant 8 : i32
      %mul3A_13 = arith.muli %add3A_11, %mul3A_12 : i32
      %add3A_14 = arith.constant 0 : i32
      %add3A_15 = arith.addi %mul3A_13, %add3A_14 : i32
      %dma_start3A = arith.constant 0 : i32
      %dma_start3A_16 = arith.constant 0 : i32
      %dma_start3A_17 = arith.constant 0 : i32
      %dma_start3A_18 = tpu.memref_slice %arg6[%dma_start3A, %dma_start3A_16, %dma_start3A_17] : memref<8x128x64xf32, #tpu.memory_space<vmem>> -> memref<1x128x64xf32, #tpu.memory_space<vmem>>
      %dma_start3A_19 = tpu.memref_squeeze %dma_start3A_18 : memref<1x128x64xf32, #tpu.memory_space<vmem>> -> memref<128x64xf32, #tpu.memory_space<vmem>>
      %dma_start3A_20 = arith.constant 0 : i32
      %dma_start3A_21 = tpu.memref_slice %arg5[%add3A_15, %dma_start3A_20] : memref<104x128xi32, #tpu.memory_space<vmem>> -> memref<1x128xi32, #tpu.memory_space<vmem>>
      %dma_start3A_22 = tpu.memref_squeeze %dma_start3A_21 : memref<1x128xi32, #tpu.memory_space<vmem>> -> memref<128xi32, #tpu.memory_space<vmem>>
      %dma_start3A_23 = arith.constant 0 : i32
      %dma_start3A_24 = arith.constant 0 : i32
      %dma_start3A_25 = tpu.memref_slice %arg2[%dma_start3A_23, %dma_start3A_24] : memref<2600000x64xf32, #tpu.memory_space<hbm>> -> memref<2600000x64xf32, #tpu.memory_space<hbm>>
      tpu.enqueue_indirect_dma source(%dma_start3A_25 : memref<2600000x64xf32, #tpu.memory_space<hbm>>) target(%dma_start3A_19 : memref<128x64xf32, #tpu.memory_space<vmem>>) offsets(%dma_start3A_22 : memref<128xi32, #tpu.memory_space<vmem>>) semaphore(%arg7 : memref<!tpu.dma_semaphore, #tpu.memory_space<semaphore_mem>>)
      %add3A_26 = arith.constant 1 : i32
      %add3A_27 = arith.addi %mul3A_13, %add3A_26 : i32
      %dma_start3A_28 = arith.constant 1 : i32
      %dma_start3A_29 = arith.constant 0 : i32
      %dma_start3A_30 = arith.constant 0 : i32
      %dma_start3A_31 = tpu.memref_slice %arg6[%dma_start3A_28, %dma_start3A_29, %dma_start3A_30] : memref<8x128x64xf32, #tpu.memory_space<vmem>> -> memref<1x128x64xf32, #tpu.memory_space<vmem>>
      %dma_start3A_32 = tpu.memref_squeeze %dma_start3A_31 : memref<1x128x64xf32, #tpu.memory_space<vmem>> -> memref<128x64xf32, #tpu.memory_space<vmem>>
      %dma_start3A_33 = arith.constant 0 : i32
      %dma_start3A_34 = tpu.memref_slice %arg5[%add3A_27, %dma_start3A_33] : memref<104x128xi32, #tpu.memory_space<vmem>> -> memref<1x128xi32, #tpu.memory_space<vmem>>
      %dma_start3A_35 = tpu.memref_squeeze %dma_start3A_34 : memref<1x128xi32, #tpu.memory_space<vmem>> -> memref<128xi32, #tpu.memory_space<vmem>>
      %dma_start3A_36 = arith.constant 0 : i32
      %dma_start3A_37 = arith.constant 0 : i32
      %dma_start3A_38 = tpu.memref_slice %arg2[%dma_start3A_36, %dma_start3A_37] : memref<2600000x64xf32, #tpu.memory_space<hbm>> -> memref<2600000x64xf32, #tpu.memory_space<hbm>>
      tpu.enqueue_indirect_dma source(%dma_start3A_38 : memref<2600000x64xf32, #tpu.memory_space<hbm>>) target(%dma_start3A_32 : memref<128x64xf32, #tpu.memory_space<vmem>>) offsets(%dma_start3A_35 : memref<128xi32, #tpu.memory_space<vmem>>) semaphore(%arg7 : memref<!tpu.dma_semaphore, #tpu.memory_space<semaphore_mem>>)
      %add3A_39 = arith.constant 2 : i32
      %add3A_40 = arith.addi %mul3A_13, %add3A_39 : i32
      %dma_start3A_41 = arith.constant 2 : i32
      %dma_start3A_42 = arith.constant 0 : i32
      %dma_start3A_43 = arith.constant 0 : i32
      %dma_start3A_44 = tpu.memref_slice %arg6[%dma_start3A_41, %dma_start3A_42, %dma_start3A_43] : memref<8x128x64xf32, #tpu.memory_space<vmem>> -> memref<1x128x64xf32, #tpu.memory_space<vmem>>
      %dma_start3A_45 = tpu.memref_squeeze %dma_start3A_44 : memref<1x128x64xf32, #tpu.memory_space<vmem>> -> memref<128x64xf32, #tpu.memory_space<vmem>>
      %dma_start3A_46 = arith.constant 0 : i32
      %dma_start3A_47 = tpu.memref_slice %arg5[%add3A_40, %dma_start3A_46] : memref<104x128xi32, #tpu.memory_space<vmem>> -> memref<1x128xi32, #tpu.memory_space<vmem>>
      %dma_start3A_48 = tpu.memref_squeeze %dma_start3A_47 : memref<1x128xi32, #tpu.memory_space<vmem>> -> memref<128xi32, #tpu.memory_space<vmem>>
      %dma_start3A_49 = arith.constant 0 : i32
      %dma_start3A_50 = arith.constant 0 : i32
      %dma_start3A_51 = tpu.memref_slice %arg2[%dma_start3A_49, %dma_start3A_50] : memref<2600000x64xf32, #tpu.memory_space<hbm>> -> memref<2600000x64xf32, #tpu.memory_space<hbm>>
      tpu.enqueue_indirect_dma source(%dma_start3A_51 : memref<2600000x64xf32, #tpu.memory_space<hbm>>) target(%dma_start3A_45 : memref<128x64xf32, #tpu.memory_space<vmem>>) offsets(%dma_start3A_48 : memref<128xi32, #tpu.memory_space<vmem>>) semaphore(%arg7 : memref<!tpu.dma_semaphore, #tpu.memory_space<semaphore_mem>>)
      %add3A_52 = arith.constant 3 : i32
      %add3A_53 = arith.addi %mul3A_13, %add3A_52 : i32
      %dma_start3A_54 = arith.constant 3 : i32
      %dma_start3A_55 = arith.constant 0 : i32
      %dma_start3A_56 = arith.constant 0 : i32
      %dma_start3A_57 = tpu.memref_slice %arg6[%dma_start3A_54, %dma_start3A_55, %dma_start3A_56] : memref<8x128x64xf32, #tpu.memory_space<vmem>> -> memref<1x128x64xf32, #tpu.memory_space<vmem>>
      %dma_start3A_58 = tpu.memref_squeeze %dma_start3A_57 : memref<1x128x64xf32, #tpu.memory_space<vmem>> -> memref<128x64xf32, #tpu.memory_space<vmem>>
      %dma_start3A_59 = arith.constant 0 : i32
      %dma_start3A_60 = tpu.memref_slice %arg5[%add3A_53, %dma_start3A_59] : memref<104x128xi32, #tpu.memory_space<vmem>> -> memref<1x128xi32, #tpu.memory_space<vmem>>
      %dma_start3A_61 = tpu.memref_squeeze %dma_start3A_60 : memref<1x128xi32, #tpu.memory_space<vmem>> -> memref<128xi32, #tpu.memory_space<vmem>>
      %dma_start3A_62 = arith.constant 0 : i32
      %dma_start3A_63 = arith.constant 0 : i32
      %dma_start3A_64 = tpu.memref_slice %arg2[%dma_start3A_62, %dma_start3A_63] : memref<2600000x64xf32, #tpu.memory_space<hbm>> -> memref<2600000x64xf32, #tpu.memory_space<hbm>>
      tpu.enqueue_indirect_dma source(%dma_start3A_64 : memref<2600000x64xf32, #tpu.memory_space<hbm>>) target(%dma_start3A_58 : memref<128x64xf32, #tpu.memory_space<vmem>>) offsets(%dma_start3A_61 : memref<128xi32, #tpu.memory_space<vmem>>) semaphore(%arg7 : memref<!tpu.dma_semaphore, #tpu.memory_space<semaphore_mem>>)
      %add3A_65 = arith.constant 4 : i32
      %add3A_66 = arith.addi %mul3A_13, %add3A_65 : i32
      %dma_start3A_67 = arith.constant 4 : i32
      %dma_start3A_68 = arith.constant 0 : i32
      %dma_start3A_69 = arith.constant 0 : i32
      %dma_start3A_70 = tpu.memref_slice %arg6[%dma_start3A_67, %dma_start3A_68, %dma_start3A_69] : memref<8x128x64xf32, #tpu.memory_space<vmem>> -> memref<1x128x64xf32, #tpu.memory_space<vmem>>
      %dma_start3A_71 = tpu.memref_squeeze %dma_start3A_70 : memref<1x128x64xf32, #tpu.memory_space<vmem>> -> memref<128x64xf32, #tpu.memory_space<vmem>>
      %dma_start3A_72 = arith.constant 0 : i32
      %dma_start3A_73 = tpu.memref_slice %arg5[%add3A_66, %dma_start3A_72] : memref<104x128xi32, #tpu.memory_space<vmem>> -> memref<1x128xi32, #tpu.memory_space<vmem>>
      %dma_start3A_74 = tpu.memref_squeeze %dma_start3A_73 : memref<1x128xi32, #tpu.memory_space<vmem>> -> memref<128xi32, #tpu.memory_space<vmem>>
      %dma_start3A_75 = arith.constant 0 : i32
      %dma_start3A_76 = arith.constant 0 : i32
      %dma_start3A_77 = tpu.memref_slice %arg2[%dma_start3A_75, %dma_start3A_76] : memref<2600000x64xf32, #tpu.memory_space<hbm>> -> memref<2600000x64xf32, #tpu.memory_space<hbm>>
      tpu.enqueue_indirect_dma source(%dma_start3A_77 : memref<2600000x64xf32, #tpu.memory_space<hbm>>) target(%dma_start3A_71 : memref<128x64xf32, #tpu.memory_space<vmem>>) offsets(%dma_start3A_74 : memref<128xi32, #tpu.memory_space<vmem>>) semaphore(%arg7 : memref<!tpu.dma_semaphore, #tpu.memory_space<semaphore_mem>>)
      %add3A_78 = arith.constant 5 : i32
      %add3A_79 = arith.addi %mul3A_13, %add3A_78 : i32
      %dma_start3A_80 = arith.constant 5 : i32
      %dma_start3A_81 = arith.constant 0 : i32
      %dma_start3A_82 = arith.constant 0 : i32
      %dma_start3A_83 = tpu.memref_slice %arg6[%dma_start3A_80, %dma_start3A_81, %dma_start3A_82] : memref<8x128x64xf32, #tpu.memory_space<vmem>> -> memref<1x128x64xf32, #tpu.memory_space<vmem>>
      %dma_start3A_84 = tpu.memref_squeeze %dma_start3A_83 : memref<1x128x64xf32, #tpu.memory_space<vmem>> -> memref<128x64xf32, #tpu.memory_space<vmem>>
      %dma_start3A_85 = arith.constant 0 : i32
      %dma_start3A_86 = tpu.memref_slice %arg5[%add3A_79, %dma_start3A_85] : memref<104x128xi32, #tpu.memory_space<vmem>> -> memref<1x128xi32, #tpu.memory_space<vmem>>
      %dma_start3A_87 = tpu.memref_squeeze %dma_start3A_86 : memref<1x128xi32, #tpu.memory_space<vmem>> -> memref<128xi32, #tpu.memory_space<vmem>>
      %dma_start3A_88 = arith.constant 0 : i32
      %dma_start3A_89 = arith.constant 0 : i32
      %dma_start3A_90 = tpu.memref_slice %arg2[%dma_start3A_88, %dma_start3A_89] : memref<2600000x64xf32, #tpu.memory_space<hbm>> -> memref<2600000x64xf32, #tpu.memory_space<hbm>>
      tpu.enqueue_indirect_dma source(%dma_start3A_90 : memref<2600000x64xf32, #tpu.memory_space<hbm>>) target(%dma_start3A_84 : memref<128x64xf32, #tpu.memory_space<vmem>>) offsets(%dma_start3A_87 : memref<128xi32, #tpu.memory_space<vmem>>) semaphore(%arg7 : memref<!tpu.dma_semaphore, #tpu.memory_space<semaphore_mem>>)
      %add3A_91 = arith.constant 6 : i32
      %add3A_92 = arith.addi %mul3A_13, %add3A_91 : i32
      %dma_start3A_93 = arith.constant 6 : i32
      %dma_start3A_94 = arith.constant 0 : i32
      %dma_start3A_95 = arith.constant 0 : i32
      %dma_start3A_96 = tpu.memref_slice %arg6[%dma_start3A_93, %dma_start3A_94, %dma_start3A_95] : memref<8x128x64xf32, #tpu.memory_space<vmem>> -> memref<1x128x64xf32, #tpu.memory_space<vmem>>
      %dma_start3A_97 = tpu.memref_squeeze %dma_start3A_96 : memref<1x128x64xf32, #tpu.memory_space<vmem>> -> memref<128x64xf32, #tpu.memory_space<vmem>>
      %dma_start3A_98 = arith.constant 0 : i32
      %dma_start3A_99 = tpu.memref_slice %arg5[%add3A_92, %dma_start3A_98] : memref<104x128xi32, #tpu.memory_space<vmem>> -> memref<1x128xi32, #tpu.memory_space<vmem>>
      %dma_start3A_100 = tpu.memref_squeeze %dma_start3A_99 : memref<1x128xi32, #tpu.memory_space<vmem>> -> memref<128xi32, #tpu.memory_space<vmem>>
      %dma_start3A_101 = arith.constant 0 : i32
      %dma_start3A_102 = arith.constant 0 : i32
      %dma_start3A_103 = tpu.memref_slice %arg2[%dma_start3A_101, %dma_start3A_102] : memref<2600000x64xf32, #tpu.memory_space<hbm>> -> memref<2600000x64xf32, #tpu.memory_space<hbm>>
      tpu.enqueue_indirect_dma source(%dma_start3A_103 : memref<2600000x64xf32, #tpu.memory_space<hbm>>) target(%dma_start3A_97 : memref<128x64xf32, #tpu.memory_space<vmem>>) offsets(%dma_start3A_100 : memref<128xi32, #tpu.memory_space<vmem>>) semaphore(%arg7 : memref<!tpu.dma_semaphore, #tpu.memory_space<semaphore_mem>>)
      %add3A_104 = arith.constant 7 : i32
      %add3A_105 = arith.addi %mul3A_13, %add3A_104 : i32
      %dma_start3A_106 = arith.constant 7 : i32
      %dma_start3A_107 = arith.constant 0 : i32
      %dma_start3A_108 = arith.constant 0 : i32
      %dma_start3A_109 = tpu.memref_slice %arg6[%dma_start3A_106, %dma_start3A_107, %dma_start3A_108] : memref<8x128x64xf32, #tpu.memory_space<vmem>> -> memref<1x128x64xf32, #tpu.memory_space<vmem>>
      %dma_start3A_110 = tpu.memref_squeeze %dma_start3A_109 : memref<1x128x64xf32, #tpu.memory_space<vmem>> -> memref<128x64xf32, #tpu.memory_space<vmem>>
      %dma_start3A_111 = arith.constant 0 : i32
      %dma_start3A_112 = tpu.memref_slice %arg5[%add3A_105, %dma_start3A_111] : memref<104x128xi32, #tpu.memory_space<vmem>> -> memref<1x128xi32, #tpu.memory_space<vmem>>
      %dma_start3A_113 = tpu.memref_squeeze %dma_start3A_112 : memref<1x128xi32, #tpu.memory_space<vmem>> -> memref<128xi32, #tpu.memory_space<vmem>>
      %dma_start3A_114 = arith.constant 0 : i32
      %dma_start3A_115 = arith.constant 0 : i32
      %dma_start3A_116 = tpu.memref_slice %arg2[%dma_start3A_114, %dma_start3A_115] : memref<2600000x64xf32, #tpu.memory_space<hbm>> -> memref<2600000x64xf32, #tpu.memory_space<hbm>>
      tpu.enqueue_indirect_dma source(%dma_start3A_116 : memref<2600000x64xf32, #tpu.memory_space<hbm>>) target(%dma_start3A_110 : memref<128x64xf32, #tpu.memory_space<vmem>>) offsets(%dma_start3A_113 : memref<128xi32, #tpu.memory_space<vmem>>) semaphore(%arg7 : memref<!tpu.dma_semaphore, #tpu.memory_space<semaphore_mem>>)
      %dma_wait3A = arith.constant 0 : i32
      %dma_wait3A_117 = arith.constant 0 : i32
      %dma_wait3A_118 = arith.constant 0 : i32
      %dma_wait3A_119 = tpu.memref_slice %arg6[%dma_wait3A, %dma_wait3A_117, %dma_wait3A_118] : memref<8x128x64xf32, #tpu.memory_space<vmem>> -> memref<1x128x64xf32, #tpu.memory_space<vmem>>
      %dma_wait3A_120 = tpu.memref_squeeze %dma_wait3A_119 : memref<1x128x64xf32, #tpu.memory_space<vmem>> -> memref<128x64xf32, #tpu.memory_space<vmem>>
      %dma_wait3A_121 = arith.constant 0 : i32
      %dma_wait3A_122 = tpu.memref_slice %arg5[%add3A_15, %dma_wait3A_121] : memref<104x128xi32, #tpu.memory_space<vmem>> -> memref<1x128xi32, #tpu.memory_space<vmem>>
      %dma_wait3A_123 = tpu.memref_squeeze %dma_wait3A_122 : memref<1x128xi32, #tpu.memory_space<vmem>> -> memref<128xi32, #tpu.memory_space<vmem>>
      %dma_wait3A_124 = arith.constant 0 : i32
      %dma_wait3A_125 = arith.constant 0 : i32
      %dma_wait3A_126 = tpu.memref_slice %arg2[%dma_wait3A_124, %dma_wait3A_125] : memref<2600000x64xf32, #tpu.memory_space<hbm>> -> memref<2600000x64xf32, #tpu.memory_space<hbm>>
      tpu.wait_indirect_dma semaphore(%arg7 : memref<!tpu.dma_semaphore, #tpu.memory_space<semaphore_mem>>) src(%dma_wait3A_126 : memref<2600000x64xf32, #tpu.memory_space<hbm>>) dst(%dma_wait3A_120 : memref<128x64xf32, #tpu.memory_space<vmem>>)
      %mul3A_127 = arith.constant 8 : i32
      %mul3A_128 = arith.muli %add3A_11, %mul3A_127 : i32
      %add3A_129 = arith.constant 0 : i32
      %add3A_130 = arith.addi %mul3A_128, %add3A_129 : i32
      %mul3A_131 = arith.constant 128 : i32
      %mul3A_132 = arith.muli %add3A_130, %mul3A_131 : i32
      %add3A_133 = arith.addi %mul3A_2, %mul3A_132 : i32
      %run_scoped3A = arith.constant 0 : i32
      "tpu.region"() ({
        %run_scoped3A_267 = tpu.sem_alloc : memref<!tpu.dma_semaphore, #tpu.memory_space<semaphore_mem>>
        %dma_start3A_268 = arith.constant 0 : i32
        %dma_start3A_269 = arith.constant 0 : i32
        %dma_start3A_270 = tpu.memref_slice %arg6[%run_scoped3A, %dma_start3A_268, %dma_start3A_269] : memref<8x128x64xf32, #tpu.memory_space<vmem>> -> memref<1x128x64xf32, #tpu.memory_space<vmem>>
        %dma_start3A_271 = tpu.memref_squeeze %dma_start3A_270 : memref<1x128x64xf32, #tpu.memory_space<vmem>> -> memref<128x64xf32, #tpu.memory_space<vmem>>
        %dma_start3A_272 = arith.constant 0 : i32
        %dma_start3A_273 = tpu.memref_slice %arg4[%add3A_133, %dma_start3A_272] : memref<425984x64xf32, #tpu.memory_space<hbm>> -> memref<128x64xf32, #tpu.memory_space<hbm>>
        %dma_start3A_274 = arith.constant 0 : i32
        %dma_start3A_275 = tpu.memref_slice %arg4[%add3A_133, %dma_start3A_274] : memref<425984x64xf32, #tpu.memory_space<hbm>> -> memref<128x64xf32, #tpu.memory_space<hbm>>
        %dma_start3A_276 = arith.constant 0 : i32
        %dma_start3A_277 = arith.constant 0 : i32
        %dma_start3A_278 = tpu.memref_slice %arg6[%run_scoped3A, %dma_start3A_276, %dma_start3A_277] : memref<8x128x64xf32, #tpu.memory_space<vmem>> -> memref<1x128x64xf32, #tpu.memory_space<vmem>>
        %dma_start3A_279 = tpu.memref_squeeze %dma_start3A_278 : memref<1x128x64xf32, #tpu.memory_space<vmem>> -> memref<128x64xf32, #tpu.memory_space<vmem>>
        tpu.enqueue_dma source(%dma_start3A_279 : memref<128x64xf32, #tpu.memory_space<vmem>>) target(%dma_start3A_275 : memref<128x64xf32, #tpu.memory_space<hbm>>) target_semaphore(%run_scoped3A_267 : memref<!tpu.dma_semaphore, #tpu.memory_space<semaphore_mem>>)
        %dma_wait3A_280 = arith.constant 0 : i32
        %dma_wait3A_281 = arith.constant 0 : i32
        %dma_wait3A_282 = tpu.memref_slice %arg6[%run_scoped3A, %dma_wait3A_280, %dma_wait3A_281] : memref<8x128x64xf32, #tpu.memory_space<vmem>> -> memref<1x128x64xf32, #tpu.memory_space<vmem>>
        %dma_wait3A_283 = tpu.memref_squeeze %dma_wait3A_282 : memref<1x128x64xf32, #tpu.memory_space<vmem>> -> memref<128x64xf32, #tpu.memory_space<vmem>>
        %dma_wait3A_284 = arith.constant 0 : i32
        %dma_wait3A_285 = tpu.memref_slice %arg4[%add3A_133, %dma_wait3A_284] : memref<425984x64xf32, #tpu.memory_space<hbm>> -> memref<128x64xf32, #tpu.memory_space<hbm>>
        %dma_wait3A_286 = arith.constant 0 : i32
        %dma_wait3A_287 = tpu.memref_slice %arg4[%add3A_133, %dma_wait3A_286] : memref<425984x64xf32, #tpu.memory_space<hbm>> -> memref<128x64xf32, #tpu.memory_space<hbm>>
        %dma_wait3A_288 = arith.constant 0 : i32
        %dma_wait3A_289 = arith.constant 0 : i32
        %dma_wait3A_290 = tpu.memref_slice %arg6[%run_scoped3A, %dma_wait3A_288, %dma_wait3A_289] : memref<8x128x64xf32, #tpu.memory_space<vmem>> -> memref<1x128x64xf32, #tpu.memory_space<vmem>>
        %dma_wait3A_291 = tpu.memref_squeeze %dma_wait3A_290 : memref<1x128x64xf32, #tpu.memory_space<vmem>> -> memref<128x64xf32, #tpu.memory_space<vmem>>
        tpu.wait_dma2 semaphore(%run_scoped3A_267 : memref<!tpu.dma_semaphore, #tpu.memory_space<semaphore_mem>>) src(%dma_wait3A_291 : memref<128x64xf32, #tpu.memory_space<vmem>>) dst(%dma_wait3A_287 : memref<128x64xf32, #tpu.memory_space<hbm>>)
        tpu.yield
      }) : () -> ()
      %dma_wait3A_134 = arith.constant 1 : i32
      %dma_wait3A_135 = arith.constant 0 : i32
      %dma_wait3A_136 = arith.constant 0 : i32
      %dma_wait3A_137 = tpu.memref_slice %arg6[%dma_wait3A_134, %dma_wait3A_135, %dma_wait3A_136] : memref<8x128x64xf32, #tpu.memory_space<vmem>> -> memref<1x128x64xf32, #tpu.memory_space<vmem>>
      %dma_wait3A_138 = tpu.memref_squeeze %dma_wait3A_137 : memref<1x128x64xf32, #tpu.memory_space<vmem>> -> memref<128x64xf32, #tpu.memory_space<vmem>>
      %dma_wait3A_139 = arith.constant 0 : i32
      %dma_wait3A_140 = tpu.memref_slice %arg5[%add3A_27, %dma_wait3A_139] : memref<104x128xi32, #tpu.memory_space<vmem>> -> memref<1x128xi32, #tpu.memory_space<vmem>>
      %dma_wait3A_141 = tpu.memref_squeeze %dma_wait3A_140 : memref<1x128xi32, #tpu.memory_space<vmem>> -> memref<128xi32, #tpu.memory_space<vmem>>
      %dma_wait3A_142 = arith.constant 0 : i32
      %dma_wait3A_143 = arith.constant 0 : i32
      %dma_wait3A_144 = tpu.memref_slice %arg2[%dma_wait3A_142, %dma_wait3A_143] : memref<2600000x64xf32, #tpu.memory_space<hbm>> -> memref<2600000x64xf32, #tpu.memory_space<hbm>>
      tpu.wait_indirect_dma semaphore(%arg7 : memref<!tpu.dma_semaphore, #tpu.memory_space<semaphore_mem>>) src(%dma_wait3A_144 : memref<2600000x64xf32, #tpu.memory_space<hbm>>) dst(%dma_wait3A_138 : memref<128x64xf32, #tpu.memory_space<vmem>>)
      %mul3A_145 = arith.constant 8 : i32
      %mul3A_146 = arith.muli %add3A_11, %mul3A_145 : i32
      %add3A_147 = arith.constant 1 : i32
      %add3A_148 = arith.addi %mul3A_146, %add3A_147 : i32
      %mul3A_149 = arith.constant 128 : i32
      %mul3A_150 = arith.muli %add3A_148, %mul3A_149 : i32
      %add3A_151 = arith.addi %mul3A_2, %mul3A_150 : i32
      %run_scoped3A_152 = arith.constant 1 : i32
      "tpu.region"() ({
        %run_scoped3A_267 = tpu.sem_alloc : memref<!tpu.dma_semaphore, #tpu.memory_space<semaphore_mem>>
        %dma_start3A_268 = arith.constant 0 : i32
        %dma_start3A_269 = arith.constant 0 : i32
        %dma_start3A_270 = tpu.memref_slice %arg6[%run_scoped3A_152, %dma_start3A_268, %dma_start3A_269] : memref<8x128x64xf32, #tpu.memory_space<vmem>> -> memref<1x128x64xf32, #tpu.memory_space<vmem>>
        %dma_start3A_271 = tpu.memref_squeeze %dma_start3A_270 : memref<1x128x64xf32, #tpu.memory_space<vmem>> -> memref<128x64xf32, #tpu.memory_space<vmem>>
        %dma_start3A_272 = arith.constant 0 : i32
        %dma_start3A_273 = tpu.memref_slice %arg4[%add3A_151, %dma_start3A_272] : memref<425984x64xf32, #tpu.memory_space<hbm>> -> memref<128x64xf32, #tpu.memory_space<hbm>>
        %dma_start3A_274 = arith.constant 0 : i32
        %dma_start3A_275 = tpu.memref_slice %arg4[%add3A_151, %dma_start3A_274] : memref<425984x64xf32, #tpu.memory_space<hbm>> -> memref<128x64xf32, #tpu.memory_space<hbm>>
        %dma_start3A_276 = arith.constant 0 : i32
        %dma_start3A_277 = arith.constant 0 : i32
        %dma_start3A_278 = tpu.memref_slice %arg6[%run_scoped3A_152, %dma_start3A_276, %dma_start3A_277] : memref<8x128x64xf32, #tpu.memory_space<vmem>> -> memref<1x128x64xf32, #tpu.memory_space<vmem>>
        %dma_start3A_279 = tpu.memref_squeeze %dma_start3A_278 : memref<1x128x64xf32, #tpu.memory_space<vmem>> -> memref<128x64xf32, #tpu.memory_space<vmem>>
        tpu.enqueue_dma source(%dma_start3A_279 : memref<128x64xf32, #tpu.memory_space<vmem>>) target(%dma_start3A_275 : memref<128x64xf32, #tpu.memory_space<hbm>>) target_semaphore(%run_scoped3A_267 : memref<!tpu.dma_semaphore, #tpu.memory_space<semaphore_mem>>)
        %dma_wait3A_280 = arith.constant 0 : i32
        %dma_wait3A_281 = arith.constant 0 : i32
        %dma_wait3A_282 = tpu.memref_slice %arg6[%run_scoped3A_152, %dma_wait3A_280, %dma_wait3A_281] : memref<8x128x64xf32, #tpu.memory_space<vmem>> -> memref<1x128x64xf32, #tpu.memory_space<vmem>>
        %dma_wait3A_283 = tpu.memref_squeeze %dma_wait3A_282 : memref<1x128x64xf32, #tpu.memory_space<vmem>> -> memref<128x64xf32, #tpu.memory_space<vmem>>
        %dma_wait3A_284 = arith.constant 0 : i32
        %dma_wait3A_285 = tpu.memref_slice %arg4[%add3A_151, %dma_wait3A_284] : memref<425984x64xf32, #tpu.memory_space<hbm>> -> memref<128x64xf32, #tpu.memory_space<hbm>>
        %dma_wait3A_286 = arith.constant 0 : i32
        %dma_wait3A_287 = tpu.memref_slice %arg4[%add3A_151, %dma_wait3A_286] : memref<425984x64xf32, #tpu.memory_space<hbm>> -> memref<128x64xf32, #tpu.memory_space<hbm>>
        %dma_wait3A_288 = arith.constant 0 : i32
        %dma_wait3A_289 = arith.constant 0 : i32
        %dma_wait3A_290 = tpu.memref_slice %arg6[%run_scoped3A_152, %dma_wait3A_288, %dma_wait3A_289] : memref<8x128x64xf32, #tpu.memory_space<vmem>> -> memref<1x128x64xf32, #tpu.memory_space<vmem>>
        %dma_wait3A_291 = tpu.memref_squeeze %dma_wait3A_290 : memref<1x128x64xf32, #tpu.memory_space<vmem>> -> memref<128x64xf32, #tpu.memory_space<vmem>>
        tpu.wait_dma2 semaphore(%run_scoped3A_267 : memref<!tpu.dma_semaphore, #tpu.memory_space<semaphore_mem>>) src(%dma_wait3A_291 : memref<128x64xf32, #tpu.memory_space<vmem>>) dst(%dma_wait3A_287 : memref<128x64xf32, #tpu.memory_space<hbm>>)
        tpu.yield
      }) : () -> ()
      %dma_wait3A_153 = arith.constant 2 : i32
      %dma_wait3A_154 = arith.constant 0 : i32
      %dma_wait3A_155 = arith.constant 0 : i32
      %dma_wait3A_156 = tpu.memref_slice %arg6[%dma_wait3A_153, %dma_wait3A_154, %dma_wait3A_155] : memref<8x128x64xf32, #tpu.memory_space<vmem>> -> memref<1x128x64xf32, #tpu.memory_space<vmem>>
      %dma_wait3A_157 = tpu.memref_squeeze %dma_wait3A_156 : memref<1x128x64xf32, #tpu.memory_space<vmem>> -> memref<128x64xf32, #tpu.memory_space<vmem>>
      %dma_wait3A_158 = arith.constant 0 : i32
      %dma_wait3A_159 = tpu.memref_slice %arg5[%add3A_40, %dma_wait3A_158] : memref<104x128xi32, #tpu.memory_space<vmem>> -> memref<1x128xi32, #tpu.memory_space<vmem>>
      %dma_wait3A_160 = tpu.memref_squeeze %dma_wait3A_159 : memref<1x128xi32, #tpu.memory_space<vmem>> -> memref<128xi32, #tpu.memory_space<vmem>>
      %dma_wait3A_161 = arith.constant 0 : i32
      %dma_wait3A_162 = arith.constant 0 : i32
      %dma_wait3A_163 = tpu.memref_slice %arg2[%dma_wait3A_161, %dma_wait3A_162] : memref<2600000x64xf32, #tpu.memory_space<hbm>> -> memref<2600000x64xf32, #tpu.memory_space<hbm>>
      tpu.wait_indirect_dma semaphore(%arg7 : memref<!tpu.dma_semaphore, #tpu.memory_space<semaphore_mem>>) src(%dma_wait3A_163 : memref<2600000x64xf32, #tpu.memory_space<hbm>>) dst(%dma_wait3A_157 : memref<128x64xf32, #tpu.memory_space<vmem>>)
      %mul3A_164 = arith.constant 8 : i32
      %mul3A_165 = arith.muli %add3A_11, %mul3A_164 : i32
      %add3A_166 = arith.constant 2 : i32
      %add3A_167 = arith.addi %mul3A_165, %add3A_166 : i32
      %mul3A_168 = arith.constant 128 : i32
      %mul3A_169 = arith.muli %add3A_167, %mul3A_168 : i32
      %add3A_170 = arith.addi %mul3A_2, %mul3A_169 : i32
      %run_scoped3A_171 = arith.constant 2 : i32
      "tpu.region"() ({
        %run_scoped3A_267 = tpu.sem_alloc : memref<!tpu.dma_semaphore, #tpu.memory_space<semaphore_mem>>
        %dma_start3A_268 = arith.constant 0 : i32
        %dma_start3A_269 = arith.constant 0 : i32
        %dma_start3A_270 = tpu.memref_slice %arg6[%run_scoped3A_171, %dma_start3A_268, %dma_start3A_269] : memref<8x128x64xf32, #tpu.memory_space<vmem>> -> memref<1x128x64xf32, #tpu.memory_space<vmem>>
        %dma_start3A_271 = tpu.memref_squeeze %dma_start3A_270 : memref<1x128x64xf32, #tpu.memory_space<vmem>> -> memref<128x64xf32, #tpu.memory_space<vmem>>
        %dma_start3A_272 = arith.constant 0 : i32
        %dma_start3A_273 = tpu.memref_slice %arg4[%add3A_170, %dma_start3A_272] : memref<425984x64xf32, #tpu.memory_space<hbm>> -> memref<128x64xf32, #tpu.memory_space<hbm>>
        %dma_start3A_274 = arith.constant 0 : i32
        %dma_start3A_275 = tpu.memref_slice %arg4[%add3A_170, %dma_start3A_274] : memref<425984x64xf32, #tpu.memory_space<hbm>> -> memref<128x64xf32, #tpu.memory_space<hbm>>
        %dma_start3A_276 = arith.constant 0 : i32
        %dma_start3A_277 = arith.constant 0 : i32
        %dma_start3A_278 = tpu.memref_slice %arg6[%run_scoped3A_171, %dma_start3A_276, %dma_start3A_277] : memref<8x128x64xf32, #tpu.memory_space<vmem>> -> memref<1x128x64xf32, #tpu.memory_space<vmem>>
        %dma_start3A_279 = tpu.memref_squeeze %dma_start3A_278 : memref<1x128x64xf32, #tpu.memory_space<vmem>> -> memref<128x64xf32, #tpu.memory_space<vmem>>
        tpu.enqueue_dma source(%dma_start3A_279 : memref<128x64xf32, #tpu.memory_space<vmem>>) target(%dma_start3A_275 : memref<128x64xf32, #tpu.memory_space<hbm>>) target_semaphore(%run_scoped3A_267 : memref<!tpu.dma_semaphore, #tpu.memory_space<semaphore_mem>>)
        %dma_wait3A_280 = arith.constant 0 : i32
        %dma_wait3A_281 = arith.constant 0 : i32
        %dma_wait3A_282 = tpu.memref_slice %arg6[%run_scoped3A_171, %dma_wait3A_280, %dma_wait3A_281] : memref<8x128x64xf32, #tpu.memory_space<vmem>> -> memref<1x128x64xf32, #tpu.memory_space<vmem>>
        %dma_wait3A_283 = tpu.memref_squeeze %dma_wait3A_282 : memref<1x128x64xf32, #tpu.memory_space<vmem>> -> memref<128x64xf32, #tpu.memory_space<vmem>>
        %dma_wait3A_284 = arith.constant 0 : i32
        %dma_wait3A_285 = tpu.memref_slice %arg4[%add3A_170, %dma_wait3A_284] : memref<425984x64xf32, #tpu.memory_space<hbm>> -> memref<128x64xf32, #tpu.memory_space<hbm>>
        %dma_wait3A_286 = arith.constant 0 : i32
        %dma_wait3A_287 = tpu.memref_slice %arg4[%add3A_170, %dma_wait3A_286] : memref<425984x64xf32, #tpu.memory_space<hbm>> -> memref<128x64xf32, #tpu.memory_space<hbm>>
        %dma_wait3A_288 = arith.constant 0 : i32
        %dma_wait3A_289 = arith.constant 0 : i32
        %dma_wait3A_290 = tpu.memref_slice %arg6[%run_scoped3A_171, %dma_wait3A_288, %dma_wait3A_289] : memref<8x128x64xf32, #tpu.memory_space<vmem>> -> memref<1x128x64xf32, #tpu.memory_space<vmem>>
        %dma_wait3A_291 = tpu.memref_squeeze %dma_wait3A_290 : memref<1x128x64xf32, #tpu.memory_space<vmem>> -> memref<128x64xf32, #tpu.memory_space<vmem>>
        tpu.wait_dma2 semaphore(%run_scoped3A_267 : memref<!tpu.dma_semaphore, #tpu.memory_space<semaphore_mem>>) src(%dma_wait3A_291 : memref<128x64xf32, #tpu.memory_space<vmem>>) dst(%dma_wait3A_287 : memref<128x64xf32, #tpu.memory_space<hbm>>)
        tpu.yield
      }) : () -> ()
      %dma_wait3A_172 = arith.constant 3 : i32
      %dma_wait3A_173 = arith.constant 0 : i32
      %dma_wait3A_174 = arith.constant 0 : i32
      %dma_wait3A_175 = tpu.memref_slice %arg6[%dma_wait3A_172, %dma_wait3A_173, %dma_wait3A_174] : memref<8x128x64xf32, #tpu.memory_space<vmem>> -> memref<1x128x64xf32, #tpu.memory_space<vmem>>
      %dma_wait3A_176 = tpu.memref_squeeze %dma_wait3A_175 : memref<1x128x64xf32, #tpu.memory_space<vmem>> -> memref<128x64xf32, #tpu.memory_space<vmem>>
      %dma_wait3A_177 = arith.constant 0 : i32
      %dma_wait3A_178 = tpu.memref_slice %arg5[%add3A_53, %dma_wait3A_177] : memref<104x128xi32, #tpu.memory_space<vmem>> -> memref<1x128xi32, #tpu.memory_space<vmem>>
      %dma_wait3A_179 = tpu.memref_squeeze %dma_wait3A_178 : memref<1x128xi32, #tpu.memory_space<vmem>> -> memref<128xi32, #tpu.memory_space<vmem>>
      %dma_wait3A_180 = arith.constant 0 : i32
      %dma_wait3A_181 = arith.constant 0 : i32
      %dma_wait3A_182 = tpu.memref_slice %arg2[%dma_wait3A_180, %dma_wait3A_181] : memref<2600000x64xf32, #tpu.memory_space<hbm>> -> memref<2600000x64xf32, #tpu.memory_space<hbm>>
      tpu.wait_indirect_dma semaphore(%arg7 : memref<!tpu.dma_semaphore, #tpu.memory_space<semaphore_mem>>) src(%dma_wait3A_182 : memref<2600000x64xf32, #tpu.memory_space<hbm>>) dst(%dma_wait3A_176 : memref<128x64xf32, #tpu.memory_space<vmem>>)
      %mul3A_183 = arith.constant 8 : i32
      %mul3A_184 = arith.muli %add3A_11, %mul3A_183 : i32
      %add3A_185 = arith.constant 3 : i32
      %add3A_186 = arith.addi %mul3A_184, %add3A_185 : i32
      %mul3A_187 = arith.constant 128 : i32
      %mul3A_188 = arith.muli %add3A_186, %mul3A_187 : i32
      %add3A_189 = arith.addi %mul3A_2, %mul3A_188 : i32
      %run_scoped3A_190 = arith.constant 3 : i32
      "tpu.region"() ({
        %run_scoped3A_267 = tpu.sem_alloc : memref<!tpu.dma_semaphore, #tpu.memory_space<semaphore_mem>>
        %dma_start3A_268 = arith.constant 0 : i32
        %dma_start3A_269 = arith.constant 0 : i32
        %dma_start3A_270 = tpu.memref_slice %arg6[%run_scoped3A_190, %dma_start3A_268, %dma_start3A_269] : memref<8x128x64xf32, #tpu.memory_space<vmem>> -> memref<1x128x64xf32, #tpu.memory_space<vmem>>
        %dma_start3A_271 = tpu.memref_squeeze %dma_start3A_270 : memref<1x128x64xf32, #tpu.memory_space<vmem>> -> memref<128x64xf32, #tpu.memory_space<vmem>>
        %dma_start3A_272 = arith.constant 0 : i32
        %dma_start3A_273 = tpu.memref_slice %arg4[%add3A_189, %dma_start3A_272] : memref<425984x64xf32, #tpu.memory_space<hbm>> -> memref<128x64xf32, #tpu.memory_space<hbm>>
        %dma_start3A_274 = arith.constant 0 : i32
        %dma_start3A_275 = tpu.memref_slice %arg4[%add3A_189, %dma_start3A_274] : memref<425984x64xf32, #tpu.memory_space<hbm>> -> memref<128x64xf32, #tpu.memory_space<hbm>>
        %dma_start3A_276 = arith.constant 0 : i32
        %dma_start3A_277 = arith.constant 0 : i32
        %dma_start3A_278 = tpu.memref_slice %arg6[%run_scoped3A_190, %dma_start3A_276, %dma_start3A_277] : memref<8x128x64xf32, #tpu.memory_space<vmem>> -> memref<1x128x64xf32, #tpu.memory_space<vmem>>
        %dma_start3A_279 = tpu.memref_squeeze %dma_start3A_278 : memref<1x128x64xf32, #tpu.memory_space<vmem>> -> memref<128x64xf32, #tpu.memory_space<vmem>>
        tpu.enqueue_dma source(%dma_start3A_279 : memref<128x64xf32, #tpu.memory_space<vmem>>) target(%dma_start3A_275 : memref<128x64xf32, #tpu.memory_space<hbm>>) target_semaphore(%run_scoped3A_267 : memref<!tpu.dma_semaphore, #tpu.memory_space<semaphore_mem>>)
        %dma_wait3A_280 = arith.constant 0 : i32
        %dma_wait3A_281 = arith.constant 0 : i32
        %dma_wait3A_282 = tpu.memref_slice %arg6[%run_scoped3A_190, %dma_wait3A_280, %dma_wait3A_281] : memref<8x128x64xf32, #tpu.memory_space<vmem>> -> memref<1x128x64xf32, #tpu.memory_space<vmem>>
        %dma_wait3A_283 = tpu.memref_squeeze %dma_wait3A_282 : memref<1x128x64xf32, #tpu.memory_space<vmem>> -> memref<128x64xf32, #tpu.memory_space<vmem>>
        %dma_wait3A_284 = arith.constant 0 : i32
        %dma_wait3A_285 = tpu.memref_slice %arg4[%add3A_189, %dma_wait3A_284] : memref<425984x64xf32, #tpu.memory_space<hbm>> -> memref<128x64xf32, #tpu.memory_space<hbm>>
        %dma_wait3A_286 = arith.constant 0 : i32
        %dma_wait3A_287 = tpu.memref_slice %arg4[%add3A_189, %dma_wait3A_286] : memref<425984x64xf32, #tpu.memory_space<hbm>> -> memref<128x64xf32, #tpu.memory_space<hbm>>
        %dma_wait3A_288 = arith.constant 0 : i32
        %dma_wait3A_289 = arith.constant 0 : i32
        %dma_wait3A_290 = tpu.memref_slice %arg6[%run_scoped3A_190, %dma_wait3A_288, %dma_wait3A_289] : memref<8x128x64xf32, #tpu.memory_space<vmem>> -> memref<1x128x64xf32, #tpu.memory_space<vmem>>
        %dma_wait3A_291 = tpu.memref_squeeze %dma_wait3A_290 : memref<1x128x64xf32, #tpu.memory_space<vmem>> -> memref<128x64xf32, #tpu.memory_space<vmem>>
        tpu.wait_dma2 semaphore(%run_scoped3A_267 : memref<!tpu.dma_semaphore, #tpu.memory_space<semaphore_mem>>) src(%dma_wait3A_291 : memref<128x64xf32, #tpu.memory_space<vmem>>) dst(%dma_wait3A_287 : memref<128x64xf32, #tpu.memory_space<hbm>>)
        tpu.yield
      }) : () -> ()
      %dma_wait3A_191 = arith.constant 4 : i32
      %dma_wait3A_192 = arith.constant 0 : i32
      %dma_wait3A_193 = arith.constant 0 : i32
      %dma_wait3A_194 = tpu.memref_slice %arg6[%dma_wait3A_191, %dma_wait3A_192, %dma_wait3A_193] : memref<8x128x64xf32, #tpu.memory_space<vmem>> -> memref<1x128x64xf32, #tpu.memory_space<vmem>>
      %dma_wait3A_195 = tpu.memref_squeeze %dma_wait3A_194 : memref<1x128x64xf32, #tpu.memory_space<vmem>> -> memref<128x64xf32, #tpu.memory_space<vmem>>
      %dma_wait3A_196 = arith.constant 0 : i32
      %dma_wait3A_197 = tpu.memref_slice %arg5[%add3A_66, %dma_wait3A_196] : memref<104x128xi32, #tpu.memory_space<vmem>> -> memref<1x128xi32, #tpu.memory_space<vmem>>
      %dma_wait3A_198 = tpu.memref_squeeze %dma_wait3A_197 : memref<1x128xi32, #tpu.memory_space<vmem>> -> memref<128xi32, #tpu.memory_space<vmem>>
      %dma_wait3A_199 = arith.constant 0 : i32
      %dma_wait3A_200 = arith.constant 0 : i32
      %dma_wait3A_201 = tpu.memref_slice %arg2[%dma_wait3A_199, %dma_wait3A_200] : memref<2600000x64xf32, #tpu.memory_space<hbm>> -> memref<2600000x64xf32, #tpu.memory_space<hbm>>
      tpu.wait_indirect_dma semaphore(%arg7 : memref<!tpu.dma_semaphore, #tpu.memory_space<semaphore_mem>>) src(%dma_wait3A_201 : memref<2600000x64xf32, #tpu.memory_space<hbm>>) dst(%dma_wait3A_195 : memref<128x64xf32, #tpu.memory_space<vmem>>)
      %mul3A_202 = arith.constant 8 : i32
      %mul3A_203 = arith.muli %add3A_11, %mul3A_202 : i32
      %add3A_204 = arith.constant 4 : i32
      %add3A_205 = arith.addi %mul3A_203, %add3A_204 : i32
      %mul3A_206 = arith.constant 128 : i32
      %mul3A_207 = arith.muli %add3A_205, %mul3A_206 : i32
      %add3A_208 = arith.addi %mul3A_2, %mul3A_207 : i32
      %run_scoped3A_209 = arith.constant 4 : i32
      "tpu.region"() ({
        %run_scoped3A_267 = tpu.sem_alloc : memref<!tpu.dma_semaphore, #tpu.memory_space<semaphore_mem>>
        %dma_start3A_268 = arith.constant 0 : i32
        %dma_start3A_269 = arith.constant 0 : i32
        %dma_start3A_270 = tpu.memref_slice %arg6[%run_scoped3A_209, %dma_start3A_268, %dma_start3A_269] : memref<8x128x64xf32, #tpu.memory_space<vmem>> -> memref<1x128x64xf32, #tpu.memory_space<vmem>>
        %dma_start3A_271 = tpu.memref_squeeze %dma_start3A_270 : memref<1x128x64xf32, #tpu.memory_space<vmem>> -> memref<128x64xf32, #tpu.memory_space<vmem>>
        %dma_start3A_272 = arith.constant 0 : i32
        %dma_start3A_273 = tpu.memref_slice %arg4[%add3A_208, %dma_start3A_272] : memref<425984x64xf32, #tpu.memory_space<hbm>> -> memref<128x64xf32, #tpu.memory_space<hbm>>
        %dma_start3A_274 = arith.constant 0 : i32
        %dma_start3A_275 = tpu.memref_slice %arg4[%add3A_208, %dma_start3A_274] : memref<425984x64xf32, #tpu.memory_space<hbm>> -> memref<128x64xf32, #tpu.memory_space<hbm>>
        %dma_start3A_276 = arith.constant 0 : i32
        %dma_start3A_277 = arith.constant 0 : i32
        %dma_start3A_278 = tpu.memref_slice %arg6[%run_scoped3A_209, %dma_start3A_276, %dma_start3A_277] : memref<8x128x64xf32, #tpu.memory_space<vmem>> -> memref<1x128x64xf32, #tpu.memory_space<vmem>>
        %dma_start3A_279 = tpu.memref_squeeze %dma_start3A_278 : memref<1x128x64xf32, #tpu.memory_space<vmem>> -> memref<128x64xf32, #tpu.memory_space<vmem>>
        tpu.enqueue_dma source(%dma_start3A_279 : memref<128x64xf32, #tpu.memory_space<vmem>>) target(%dma_start3A_275 : memref<128x64xf32, #tpu.memory_space<hbm>>) target_semaphore(%run_scoped3A_267 : memref<!tpu.dma_semaphore, #tpu.memory_space<semaphore_mem>>)
        %dma_wait3A_280 = arith.constant 0 : i32
        %dma_wait3A_281 = arith.constant 0 : i32
        %dma_wait3A_282 = tpu.memref_slice %arg6[%run_scoped3A_209, %dma_wait3A_280, %dma_wait3A_281] : memref<8x128x64xf32, #tpu.memory_space<vmem>> -> memref<1x128x64xf32, #tpu.memory_space<vmem>>
        %dma_wait3A_283 = tpu.memref_squeeze %dma_wait3A_282 : memref<1x128x64xf32, #tpu.memory_space<vmem>> -> memref<128x64xf32, #tpu.memory_space<vmem>>
        %dma_wait3A_284 = arith.constant 0 : i32
        %dma_wait3A_285 = tpu.memref_slice %arg4[%add3A_208, %dma_wait3A_284] : memref<425984x64xf32, #tpu.memory_space<hbm>> -> memref<128x64xf32, #tpu.memory_space<hbm>>
        %dma_wait3A_286 = arith.constant 0 : i32
        %dma_wait3A_287 = tpu.memref_slice %arg4[%add3A_208, %dma_wait3A_286] : memref<425984x64xf32, #tpu.memory_space<hbm>> -> memref<128x64xf32, #tpu.memory_space<hbm>>
        %dma_wait3A_288 = arith.constant 0 : i32
        %dma_wait3A_289 = arith.constant 0 : i32
        %dma_wait3A_290 = tpu.memref_slice %arg6[%run_scoped3A_209, %dma_wait3A_288, %dma_wait3A_289] : memref<8x128x64xf32, #tpu.memory_space<vmem>> -> memref<1x128x64xf32, #tpu.memory_space<vmem>>
        %dma_wait3A_291 = tpu.memref_squeeze %dma_wait3A_290 : memref<1x128x64xf32, #tpu.memory_space<vmem>> -> memref<128x64xf32, #tpu.memory_space<vmem>>
        tpu.wait_dma2 semaphore(%run_scoped3A_267 : memref<!tpu.dma_semaphore, #tpu.memory_space<semaphore_mem>>) src(%dma_wait3A_291 : memref<128x64xf32, #tpu.memory_space<vmem>>) dst(%dma_wait3A_287 : memref<128x64xf32, #tpu.memory_space<hbm>>)
        tpu.yield
      }) : () -> ()
      %dma_wait3A_210 = arith.constant 5 : i32
      %dma_wait3A_211 = arith.constant 0 : i32
      %dma_wait3A_212 = arith.constant 0 : i32
      %dma_wait3A_213 = tpu.memref_slice %arg6[%dma_wait3A_210, %dma_wait3A_211, %dma_wait3A_212] : memref<8x128x64xf32, #tpu.memory_space<vmem>> -> memref<1x128x64xf32, #tpu.memory_space<vmem>>
      %dma_wait3A_214 = tpu.memref_squeeze %dma_wait3A_213 : memref<1x128x64xf32, #tpu.memory_space<vmem>> -> memref<128x64xf32, #tpu.memory_space<vmem>>
      %dma_wait3A_215 = arith.constant 0 : i32
      %dma_wait3A_216 = tpu.memref_slice %arg5[%add3A_79, %dma_wait3A_215] : memref<104x128xi32, #tpu.memory_space<vmem>> -> memref<1x128xi32, #tpu.memory_space<vmem>>
      %dma_wait3A_217 = tpu.memref_squeeze %dma_wait3A_216 : memref<1x128xi32, #tpu.memory_space<vmem>> -> memref<128xi32, #tpu.memory_space<vmem>>
      %dma_wait3A_218 = arith.constant 0 : i32
      %dma_wait3A_219 = arith.constant 0 : i32
      %dma_wait3A_220 = tpu.memref_slice %arg2[%dma_wait3A_218, %dma_wait3A_219] : memref<2600000x64xf32, #tpu.memory_space<hbm>> -> memref<2600000x64xf32, #tpu.memory_space<hbm>>
      tpu.wait_indirect_dma semaphore(%arg7 : memref<!tpu.dma_semaphore, #tpu.memory_space<semaphore_mem>>) src(%dma_wait3A_220 : memref<2600000x64xf32, #tpu.memory_space<hbm>>) dst(%dma_wait3A_214 : memref<128x64xf32, #tpu.memory_space<vmem>>)
      %mul3A_221 = arith.constant 8 : i32
      %mul3A_222 = arith.muli %add3A_11, %mul3A_221 : i32
      %add3A_223 = arith.constant 5 : i32
      %add3A_224 = arith.addi %mul3A_222, %add3A_223 : i32
      %mul3A_225 = arith.constant 128 : i32
      %mul3A_226 = arith.muli %add3A_224, %mul3A_225 : i32
      %add3A_227 = arith.addi %mul3A_2, %mul3A_226 : i32
      %run_scoped3A_228 = arith.constant 5 : i32
      "tpu.region"() ({
        %run_scoped3A_267 = tpu.sem_alloc : memref<!tpu.dma_semaphore, #tpu.memory_space<semaphore_mem>>
        %dma_start3A_268 = arith.constant 0 : i32
        %dma_start3A_269 = arith.constant 0 : i32
        %dma_start3A_270 = tpu.memref_slice %arg6[%run_scoped3A_228, %dma_start3A_268, %dma_start3A_269] : memref<8x128x64xf32, #tpu.memory_space<vmem>> -> memref<1x128x64xf32, #tpu.memory_space<vmem>>
        %dma_start3A_271 = tpu.memref_squeeze %dma_start3A_270 : memref<1x128x64xf32, #tpu.memory_space<vmem>> -> memref<128x64xf32, #tpu.memory_space<vmem>>
        %dma_start3A_272 = arith.constant 0 : i32
        %dma_start3A_273 = tpu.memref_slice %arg4[%add3A_227, %dma_start3A_272] : memref<425984x64xf32, #tpu.memory_space<hbm>> -> memref<128x64xf32, #tpu.memory_space<hbm>>
        %dma_start3A_274 = arith.constant 0 : i32
        %dma_start3A_275 = tpu.memref_slice %arg4[%add3A_227, %dma_start3A_274] : memref<425984x64xf32, #tpu.memory_space<hbm>> -> memref<128x64xf32, #tpu.memory_space<hbm>>
        %dma_start3A_276 = arith.constant 0 : i32
        %dma_start3A_277 = arith.constant 0 : i32
        %dma_start3A_278 = tpu.memref_slice %arg6[%run_scoped3A_228, %dma_start3A_276, %dma_start3A_277] : memref<8x128x64xf32, #tpu.memory_space<vmem>> -> memref<1x128x64xf32, #tpu.memory_space<vmem>>
        %dma_start3A_279 = tpu.memref_squeeze %dma_start3A_278 : memref<1x128x64xf32, #tpu.memory_space<vmem>> -> memref<128x64xf32, #tpu.memory_space<vmem>>
        tpu.enqueue_dma source(%dma_start3A_279 : memref<128x64xf32, #tpu.memory_space<vmem>>) target(%dma_start3A_275 : memref<128x64xf32, #tpu.memory_space<hbm>>) target_semaphore(%run_scoped3A_267 : memref<!tpu.dma_semaphore, #tpu.memory_space<semaphore_mem>>)
        %dma_wait3A_280 = arith.constant 0 : i32
        %dma_wait3A_281 = arith.constant 0 : i32
        %dma_wait3A_282 = tpu.memref_slice %arg6[%run_scoped3A_228, %dma_wait3A_280, %dma_wait3A_281] : memref<8x128x64xf32, #tpu.memory_space<vmem>> -> memref<1x128x64xf32, #tpu.memory_space<vmem>>
        %dma_wait3A_283 = tpu.memref_squeeze %dma_wait3A_282 : memref<1x128x64xf32, #tpu.memory_space<vmem>> -> memref<128x64xf32, #tpu.memory_space<vmem>>
        %dma_wait3A_284 = arith.constant 0 : i32
        %dma_wait3A_285 = tpu.memref_slice %arg4[%add3A_227, %dma_wait3A_284] : memref<425984x64xf32, #tpu.memory_space<hbm>> -> memref<128x64xf32, #tpu.memory_space<hbm>>
        %dma_wait3A_286 = arith.constant 0 : i32
        %dma_wait3A_287 = tpu.memref_slice %arg4[%add3A_227, %dma_wait3A_286] : memref<425984x64xf32, #tpu.memory_space<hbm>> -> memref<128x64xf32, #tpu.memory_space<hbm>>
        %dma_wait3A_288 = arith.constant 0 : i32
        %dma_wait3A_289 = arith.constant 0 : i32
        %dma_wait3A_290 = tpu.memref_slice %arg6[%run_scoped3A_228, %dma_wait3A_288, %dma_wait3A_289] : memref<8x128x64xf32, #tpu.memory_space<vmem>> -> memref<1x128x64xf32, #tpu.memory_space<vmem>>
        %dma_wait3A_291 = tpu.memref_squeeze %dma_wait3A_290 : memref<1x128x64xf32, #tpu.memory_space<vmem>> -> memref<128x64xf32, #tpu.memory_space<vmem>>
        tpu.wait_dma2 semaphore(%run_scoped3A_267 : memref<!tpu.dma_semaphore, #tpu.memory_space<semaphore_mem>>) src(%dma_wait3A_291 : memref<128x64xf32, #tpu.memory_space<vmem>>) dst(%dma_wait3A_287 : memref<128x64xf32, #tpu.memory_space<hbm>>)
        tpu.yield
      }) : () -> ()
      %dma_wait3A_229 = arith.constant 6 : i32
      %dma_wait3A_230 = arith.constant 0 : i32
      %dma_wait3A_231 = arith.constant 0 : i32
      %dma_wait3A_232 = tpu.memref_slice %arg6[%dma_wait3A_229, %dma_wait3A_230, %dma_wait3A_231] : memref<8x128x64xf32, #tpu.memory_space<vmem>> -> memref<1x128x64xf32, #tpu.memory_space<vmem>>
      %dma_wait3A_233 = tpu.memref_squeeze %dma_wait3A_232 : memref<1x128x64xf32, #tpu.memory_space<vmem>> -> memref<128x64xf32, #tpu.memory_space<vmem>>
      %dma_wait3A_234 = arith.constant 0 : i32
      %dma_wait3A_235 = tpu.memref_slice %arg5[%add3A_92, %dma_wait3A_234] : memref<104x128xi32, #tpu.memory_space<vmem>> -> memref<1x128xi32, #tpu.memory_space<vmem>>
      %dma_wait3A_236 = tpu.memref_squeeze %dma_wait3A_235 : memref<1x128xi32, #tpu.memory_space<vmem>> -> memref<128xi32, #tpu.memory_space<vmem>>
      %dma_wait3A_237 = arith.constant 0 : i32
      %dma_wait3A_238 = arith.constant 0 : i32
      %dma_wait3A_239 = tpu.memref_slice %arg2[%dma_wait3A_237, %dma_wait3A_238] : memref<2600000x64xf32, #tpu.memory_space<hbm>> -> memref<2600000x64xf32, #tpu.memory_space<hbm>>
      tpu.wait_indirect_dma semaphore(%arg7 : memref<!tpu.dma_semaphore, #tpu.memory_space<semaphore_mem>>) src(%dma_wait3A_239 : memref<2600000x64xf32, #tpu.memory_space<hbm>>) dst(%dma_wait3A_233 : memref<128x64xf32, #tpu.memory_space<vmem>>)
      %mul3A_240 = arith.constant 8 : i32
      %mul3A_241 = arith.muli %add3A_11, %mul3A_240 : i32
      %add3A_242 = arith.constant 6 : i32
      %add3A_243 = arith.addi %mul3A_241, %add3A_242 : i32
      %mul3A_244 = arith.constant 128 : i32
      %mul3A_245 = arith.muli %add3A_243, %mul3A_244 : i32
      %add3A_246 = arith.addi %mul3A_2, %mul3A_245 : i32
      %run_scoped3A_247 = arith.constant 6 : i32
      "tpu.region"() ({
        %run_scoped3A_267 = tpu.sem_alloc : memref<!tpu.dma_semaphore, #tpu.memory_space<semaphore_mem>>
        %dma_start3A_268 = arith.constant 0 : i32
        %dma_start3A_269 = arith.constant 0 : i32
        %dma_start3A_270 = tpu.memref_slice %arg6[%run_scoped3A_247, %dma_start3A_268, %dma_start3A_269] : memref<8x128x64xf32, #tpu.memory_space<vmem>> -> memref<1x128x64xf32, #tpu.memory_space<vmem>>
        %dma_start3A_271 = tpu.memref_squeeze %dma_start3A_270 : memref<1x128x64xf32, #tpu.memory_space<vmem>> -> memref<128x64xf32, #tpu.memory_space<vmem>>
        %dma_start3A_272 = arith.constant 0 : i32
        %dma_start3A_273 = tpu.memref_slice %arg4[%add3A_246, %dma_start3A_272] : memref<425984x64xf32, #tpu.memory_space<hbm>> -> memref<128x64xf32, #tpu.memory_space<hbm>>
        %dma_start3A_274 = arith.constant 0 : i32
        %dma_start3A_275 = tpu.memref_slice %arg4[%add3A_246, %dma_start3A_274] : memref<425984x64xf32, #tpu.memory_space<hbm>> -> memref<128x64xf32, #tpu.memory_space<hbm>>
        %dma_start3A_276 = arith.constant 0 : i32
        %dma_start3A_277 = arith.constant 0 : i32
        %dma_start3A_278 = tpu.memref_slice %arg6[%run_scoped3A_247, %dma_start3A_276, %dma_start3A_277] : memref<8x128x64xf32, #tpu.memory_space<vmem>> -> memref<1x128x64xf32, #tpu.memory_space<vmem>>
        %dma_start3A_279 = tpu.memref_squeeze %dma_start3A_278 : memref<1x128x64xf32, #tpu.memory_space<vmem>> -> memref<128x64xf32, #tpu.memory_space<vmem>>
        tpu.enqueue_dma source(%dma_start3A_279 : memref<128x64xf32, #tpu.memory_space<vmem>>) target(%dma_start3A_275 : memref<128x64xf32, #tpu.memory_space<hbm>>) target_semaphore(%run_scoped3A_267 : memref<!tpu.dma_semaphore, #tpu.memory_space<semaphore_mem>>)
        %dma_wait3A_280 = arith.constant 0 : i32
        %dma_wait3A_281 = arith.constant 0 : i32
        %dma_wait3A_282 = tpu.memref_slice %arg6[%run_scoped3A_247, %dma_wait3A_280, %dma_wait3A_281] : memref<8x128x64xf32, #tpu.memory_space<vmem>> -> memref<1x128x64xf32, #tpu.memory_space<vmem>>
        %dma_wait3A_283 = tpu.memref_squeeze %dma_wait3A_282 : memref<1x128x64xf32, #tpu.memory_space<vmem>> -> memref<128x64xf32, #tpu.memory_space<vmem>>
        %dma_wait3A_284 = arith.constant 0 : i32
        %dma_wait3A_285 = tpu.memref_slice %arg4[%add3A_246, %dma_wait3A_284] : memref<425984x64xf32, #tpu.memory_space<hbm>> -> memref<128x64xf32, #tpu.memory_space<hbm>>
        %dma_wait3A_286 = arith.constant 0 : i32
        %dma_wait3A_287 = tpu.memref_slice %arg4[%add3A_246, %dma_wait3A_286] : memref<425984x64xf32, #tpu.memory_space<hbm>> -> memref<128x64xf32, #tpu.memory_space<hbm>>
        %dma_wait3A_288 = arith.constant 0 : i32
        %dma_wait3A_289 = arith.constant 0 : i32
        %dma_wait3A_290 = tpu.memref_slice %arg6[%run_scoped3A_247, %dma_wait3A_288, %dma_wait3A_289] : memref<8x128x64xf32, #tpu.memory_space<vmem>> -> memref<1x128x64xf32, #tpu.memory_space<vmem>>
        %dma_wait3A_291 = tpu.memref_squeeze %dma_wait3A_290 : memref<1x128x64xf32, #tpu.memory_space<vmem>> -> memref<128x64xf32, #tpu.memory_space<vmem>>
        tpu.wait_dma2 semaphore(%run_scoped3A_267 : memref<!tpu.dma_semaphore, #tpu.memory_space<semaphore_mem>>) src(%dma_wait3A_291 : memref<128x64xf32, #tpu.memory_space<vmem>>) dst(%dma_wait3A_287 : memref<128x64xf32, #tpu.memory_space<hbm>>)
        tpu.yield
      }) : () -> ()
      %dma_wait3A_248 = arith.constant 7 : i32
      %dma_wait3A_249 = arith.constant 0 : i32
      %dma_wait3A_250 = arith.constant 0 : i32
      %dma_wait3A_251 = tpu.memref_slice %arg6[%dma_wait3A_248, %dma_wait3A_249, %dma_wait3A_250] : memref<8x128x64xf32, #tpu.memory_space<vmem>> -> memref<1x128x64xf32, #tpu.memory_space<vmem>>
      %dma_wait3A_252 = tpu.memref_squeeze %dma_wait3A_251 : memref<1x128x64xf32, #tpu.memory_space<vmem>> -> memref<128x64xf32, #tpu.memory_space<vmem>>
      %dma_wait3A_253 = arith.constant 0 : i32
      %dma_wait3A_254 = tpu.memref_slice %arg5[%add3A_105, %dma_wait3A_253] : memref<104x128xi32, #tpu.memory_space<vmem>> -> memref<1x128xi32, #tpu.memory_space<vmem>>
      %dma_wait3A_255 = tpu.memref_squeeze %dma_wait3A_254 : memref<1x128xi32, #tpu.memory_space<vmem>> -> memref<128xi32, #tpu.memory_space<vmem>>
      %dma_wait3A_256 = arith.constant 0 : i32
      %dma_wait3A_257 = arith.constant 0 : i32
      %dma_wait3A_258 = tpu.memref_slice %arg2[%dma_wait3A_256, %dma_wait3A_257] : memref<2600000x64xf32, #tpu.memory_space<hbm>> -> memref<2600000x64xf32, #tpu.memory_space<hbm>>
      tpu.wait_indirect_dma semaphore(%arg7 : memref<!tpu.dma_semaphore, #tpu.memory_space<semaphore_mem>>) src(%dma_wait3A_258 : memref<2600000x64xf32, #tpu.memory_space<hbm>>) dst(%dma_wait3A_252 : memref<128x64xf32, #tpu.memory_space<vmem>>)
      %mul3A_259 = arith.constant 8 : i32
      %mul3A_260 = arith.muli %add3A_11, %mul3A_259 : i32
      %add3A_261 = arith.constant 7 : i32
      %add3A_262 = arith.addi %mul3A_260, %add3A_261 : i32
      %mul3A_263 = arith.constant 128 : i32
      %mul3A_264 = arith.muli %add3A_262, %mul3A_263 : i32
      %add3A_265 = arith.addi %mul3A_2, %mul3A_264 : i32
      %run_scoped3A_266 = arith.constant 7 : i32
      "tpu.region"() ({
        %run_scoped3A_267 = tpu.sem_alloc : memref<!tpu.dma_semaphore, #tpu.memory_space<semaphore_mem>>
        %dma_start3A_268 = arith.constant 0 : i32
        %dma_start3A_269 = arith.constant 0 : i32
        %dma_start3A_270 = tpu.memref_slice %arg6[%run_scoped3A_266, %dma_start3A_268, %dma_start3A_269] : memref<8x128x64xf32, #tpu.memory_space<vmem>> -> memref<1x128x64xf32, #tpu.memory_space<vmem>>
        %dma_start3A_271 = tpu.memref_squeeze %dma_start3A_270 : memref<1x128x64xf32, #tpu.memory_space<vmem>> -> memref<128x64xf32, #tpu.memory_space<vmem>>
        %dma_start3A_272 = arith.constant 0 : i32
        %dma_start3A_273 = tpu.memref_slice %arg4[%add3A_265, %dma_start3A_272] : memref<425984x64xf32, #tpu.memory_space<hbm>> -> memref<128x64xf32, #tpu.memory_space<hbm>>
        %dma_start3A_274 = arith.constant 0 : i32
        %dma_start3A_275 = tpu.memref_slice %arg4[%add3A_265, %dma_start3A_274] : memref<425984x64xf32, #tpu.memory_space<hbm>> -> memref<128x64xf32, #tpu.memory_space<hbm>>
        %dma_start3A_276 = arith.constant 0 : i32
        %dma_start3A_277 = arith.constant 0 : i32
        %dma_start3A_278 = tpu.memref_slice %arg6[%run_scoped3A_266, %dma_start3A_276, %dma_start3A_277] : memref<8x128x64xf32, #tpu.memory_space<vmem>> -> memref<1x128x64xf32, #tpu.memory_space<vmem>>
        %dma_start3A_279 = tpu.memref_squeeze %dma_start3A_278 : memref<1x128x64xf32, #tpu.memory_space<vmem>> -> memref<128x64xf32, #tpu.memory_space<vmem>>
        tpu.enqueue_dma source(%dma_start3A_279 : memref<128x64xf32, #tpu.memory_space<vmem>>) target(%dma_start3A_275 : memref<128x64xf32, #tpu.memory_space<hbm>>) target_semaphore(%run_scoped3A_267 : memref<!tpu.dma_semaphore, #tpu.memory_space<semaphore_mem>>)
        %dma_wait3A_280 = arith.constant 0 : i32
        %dma_wait3A_281 = arith.constant 0 : i32
        %dma_wait3A_282 = tpu.memref_slice %arg6[%run_scoped3A_266, %dma_wait3A_280, %dma_wait3A_281] : memref<8x128x64xf32, #tpu.memory_space<vmem>> -> memref<1x128x64xf32, #tpu.memory_space<vmem>>
        %dma_wait3A_283 = tpu.memref_squeeze %dma_wait3A_282 : memref<1x128x64xf32, #tpu.memory_space<vmem>> -> memref<128x64xf32, #tpu.memory_space<vmem>>
        %dma_wait3A_284 = arith.constant 0 : i32
        %dma_wait3A_285 = tpu.memref_slice %arg4[%add3A_265, %dma_wait3A_284] : memref<425984x64xf32, #tpu.memory_space<hbm>> -> memref<128x64xf32, #tpu.memory_space<hbm>>
        %dma_wait3A_286 = arith.constant 0 : i32
        %dma_wait3A_287 = tpu.memref_slice %arg4[%add3A_265, %dma_wait3A_286] : memref<425984x64xf32, #tpu.memory_space<hbm>> -> memref<128x64xf32, #tpu.memory_space<hbm>>
        %dma_wait3A_288 = arith.constant 0 : i32
        %dma_wait3A_289 = arith.constant 0 : i32
        %dma_wait3A_290 = tpu.memref_slice %arg6[%run_scoped3A_266, %dma_wait3A_288, %dma_wait3A_289] : memref<8x128x64xf32, #tpu.memory_space<vmem>> -> memref<1x128x64xf32, #tpu.memory_space<vmem>>
        %dma_wait3A_291 = tpu.memref_squeeze %dma_wait3A_290 : memref<1x128x64xf32, #tpu.memory_space<vmem>> -> memref<128x64xf32, #tpu.memory_space<vmem>>
        tpu.wait_dma2 semaphore(%run_scoped3A_267 : memref<!tpu.dma_semaphore, #tpu.memory_space<semaphore_mem>>) src(%dma_wait3A_291 : memref<128x64xf32, #tpu.memory_space<vmem>>) dst(%dma_wait3A_287 : memref<128x64xf32, #tpu.memory_space<hbm>>)
        tpu.yield
      }) : () -> ()
    }
    %scan3A_6 = arith.constant 13 : i32
    return
  }
}

module attributes {stable_mosaic.version = 14 : i64} {
  func.func @_mlp1_kernel(%arg0: i32, %arg1: memref<512x13xf32, #tpu.memory_space<vmem>>, %arg2: memref<512x1664xf32, #tpu.memory_space<vmem>>, %arg3: memref<13x512xf32, #tpu.memory_space<vmem>>, %arg4: memref<1664x512xf32, #tpu.memory_space<vmem>>, %arg5: memref<1x512xf32, #tpu.memory_space<vmem>>, %arg6: memref<512x512xf32, #tpu.memory_space<vmem>>, %arg7: memref<2x512xf32, #tpu.memory_space<vmem>>) attributes {dimension_semantics = [#tpu.dimension_semantics<arbitrary>], iteration_bounds = array<i64: 32>, scalar_prefetch = 0 : i64, scratch_operands = 0 : i64, tpu.core_type = #tpu.core_type<tc>, window_params = [{transform_indices = @transform_0, window_bounds = array<i64: 512, 13>}, {transform_indices = @transform_1, window_bounds = array<i64: 512, 1664>}, {pipeline_mode = #tpu.pipeline_mode<synchronous>, transform_indices = @transform_2, window_bounds = array<i64: 13, 512>}, {pipeline_mode = #tpu.pipeline_mode<synchronous>, transform_indices = @transform_3, window_bounds = array<i64: 1664, 512>}, {pipeline_mode = #tpu.pipeline_mode<synchronous>, transform_indices = @transform_4, window_bounds = array<i64: 1, 512>}, {transform_indices = @transform_5, window_bounds = array<i64: 512, 512>}, {pipeline_mode = #tpu.pipeline_mode<synchronous>, transform_indices = @transform_6, window_bounds = array<i64: 2, 512>}]} {
    %get3A = arith.constant 0 : index
    %get3A_0 = arith.constant 0 : index
    %get3A_1 = vector.load %arg1[%get3A, %get3A_0] : memref<512x13xf32, #tpu.memory_space<vmem>>, vector<512x13xf32>
    %get3A_2 = arith.constant 0 : index
    %get3A_3 = arith.constant 0 : index
    %get3A_4 = vector.load %arg3[%get3A_2, %get3A_3] : memref<13x512xf32, #tpu.memory_space<vmem>>, vector<13x512xf32>
    %dot_general3A = arith.constant dense<0.000000e+00> : vector<512x512xf32>
    %dot_general3A_5 = tpu.matmul %get3A_1, %get3A_4, %dot_general3A {dimension_numbers = #tpu.dot_dimension_numbers<[1], [0], [0], [1], [0, 0, 1, 1], [], []>, transpose_lhs_hint = false} : vector<512x13xf32>, vector<13x512xf32>, vector<512x512xf32> -> vector<512x512xf32>
    %get3A_6 = arith.constant 0 : index
    %get3A_7 = arith.constant 0 : index
    %get3A_8 = vector.load %arg2[%get3A_6, %get3A_7] : memref<512x1664xf32, #tpu.memory_space<vmem>>, vector<512x1664xf32>
    %get3A_9 = arith.constant 0 : index
    %get3A_10 = arith.constant 0 : index
    %get3A_11 = vector.load %arg4[%get3A_9, %get3A_10] : memref<1664x512xf32, #tpu.memory_space<vmem>>, vector<1664x512xf32>
    %dot_general3A_12 = arith.constant dense<0.000000e+00> : vector<512x512xf32>
    %dot_general3A_13 = tpu.matmul %get3A_8, %get3A_11, %dot_general3A_12 {dimension_numbers = #tpu.dot_dimension_numbers<[1], [0], [0], [1], [0, 0, 1, 1], [], []>, transpose_lhs_hint = false} : vector<512x1664xf32>, vector<1664x512xf32>, vector<512x512xf32> -> vector<512x512xf32>
    %add3A = arith.addf %dot_general3A_5, %dot_general3A_13 : vector<512x512xf32>
    %get3A_14 = arith.constant 0 : index
    %get3A_15 = arith.constant 0 : index
    %get3A_16 = vector.load %arg5[%get3A_14, %get3A_15] : memref<1x512xf32, #tpu.memory_space<vmem>>, vector<1x512xf32>
    %add3A_17 = vector.broadcast %get3A_16 : vector<1x512xf32> to vector<512x512xf32>
    %add3A_18 = arith.addf %add3A, %add3A_17 : vector<512x512xf32>
    %swap3A = arith.constant 0 : index
    %swap3A_19 = arith.constant 0 : index
    %swap3A_20 = vector.load %arg6[%swap3A, %swap3A_19] : memref<512x512xf32, #tpu.memory_space<vmem>>, vector<512x512xf32>
    tpu.vector_store %arg6[%swap3A, %swap3A_19], %add3A_18 {strides = array<i32>} : memref<512x512xf32, #tpu.memory_space<vmem>>, vector<512x512xf32>,
    %reduce_sum3A = arith.constant dense<0.000000e+00> : vector<512xf32>
    %reduce_sum3A_21 = vector.multi_reduction <add>, %add3A_18, %reduce_sum3A [0] : vector<512x512xf32> to vector<512xf32>
    %broadcast_in_dim3A = vector.shape_cast %reduce_sum3A_21 : vector<512xf32> to vector<1x512xf32>
    %mul3A = arith.mulf %add3A_18, %add3A_18 : vector<512x512xf32>
    %reduce_sum3A_22 = arith.constant dense<0.000000e+00> : vector<512xf32>
    %reduce_sum3A_23 = vector.multi_reduction <add>, %mul3A, %reduce_sum3A_22 [0] : vector<512x512xf32> to vector<512xf32>
    %broadcast_in_dim3A_24 = vector.shape_cast %reduce_sum3A_23 : vector<512xf32> to vector<1x512xf32>
    %concatenate3A = tpu.concatenate %broadcast_in_dim3A, %broadcast_in_dim3A_24 in 0 : vector<1x512xf32>, vector<1x512xf32> -> vector<2x512xf32>
    %eq3A = arith.constant 0 : i32
    %eq3A_25 = arith.cmpi eq, %arg0, %eq3A : i32
    %convert_element_type3A = arith.extui %eq3A_25 : i1 to i32
    %cond3A = arith.constant 0 : i32
    %cond3A_26 = arith.cmpi ne, %convert_element_type3A, %cond3A : i32
    scf.if %cond3A_26 {
      %swap3A_31 = arith.constant 0 : index
      %swap3A_32 = arith.constant 0 : index
      %swap3A_33 = vector.load %arg7[%swap3A_31, %swap3A_32] : memref<2x512xf32, #tpu.memory_space<vmem>>, vector<2x512xf32>
      tpu.vector_store %arg7[%swap3A_31, %swap3A_32], %concatenate3A {strides = array<i32>} : memref<2x512xf32, #tpu.memory_space<vmem>>, vector<2x512xf32>,
    } else {
    }
    %gt3A = arith.constant 0 : i32
    %gt3A_27 = arith.cmpi sgt, %arg0, %gt3A : i32
    %convert_element_type3A_28 = arith.extui %gt3A_27 : i1 to i32
    %cond3A_29 = arith.constant 0 : i32
    %cond3A_30 = arith.cmpi ne, %convert_element_type3A_28, %cond3A_29 : i32
    scf.if %cond3A_30 {
      %get3A_31 = arith.constant 0 : index
      %get3A_32 = arith.constant 0 : index
      %get3A_33 = vector.load %arg7[%get3A_31, %get3A_32] : memref<2x512xf32, #tpu.memory_space<vmem>>, vector<2x512xf32>
      %add3A_34 = arith.addf %get3A_33, %concatenate3A : vector<2x512xf32>
      %swap3A_35 = arith.constant 0 : index
      %swap3A_36 = arith.constant 0 : index
      %swap3A_37 = vector.load %arg7[%swap3A_35, %swap3A_36] : memref<2x512xf32, #tpu.memory_space<vmem>>, vector<2x512xf32>
      tpu.vector_store %arg7[%swap3A_35, %swap3A_36], %add3A_34 {strides = array<i32>} : memref<2x512xf32, #tpu.memory_space<vmem>>, vector<2x512xf32>,
    } else {
    }
    return
  }
  func.func @transform_0(%arg0: i32) -> (i32, i32) {
    %c0_i32 = arith.constant 0 : i32
    %c0_i32_0 = arith.constant 0 : i32
    return %arg0, %c0_i32 : i32, i32
  }
  func.func @transform_1(%arg0: i32) -> (i32, i32) {
    %c0_i32 = arith.constant 0 : i32
    %c0_i32_0 = arith.constant 0 : i32
    return %arg0, %c0_i32 : i32, i32
  }
  func.func @transform_2(%arg0: i32) -> (i32, i32) {
    %c0_i32 = arith.constant 0 : i32
    %c0_i32_0 = arith.constant 0 : i32
    %c0_i32_1 = arith.constant 0 : i32
    return %c0_i32, %c0_i32_0 : i32, i32
  }
  func.func @transform_3(%arg0: i32) -> (i32, i32) {
    %c0_i32 = arith.constant 0 : i32
    %c0_i32_0 = arith.constant 0 : i32
    %c0_i32_1 = arith.constant 0 : i32
    return %c0_i32, %c0_i32_0 : i32, i32
  }
  func.func @transform_4(%arg0: i32) -> (i32, i32) {
    %c0_i32 = arith.constant 0 : i32
    %c0_i32_0 = arith.constant 0 : i32
    %c0_i32_1 = arith.constant 0 : i32
    return %c0_i32, %c0_i32_0 : i32, i32
  }
  func.func @transform_5(%arg0: i32) -> (i32, i32) {
    %c0_i32 = arith.constant 0 : i32
    %c0_i32_0 = arith.constant 0 : i32
    return %arg0, %c0_i32 : i32, i32
  }
  func.func @transform_6(%arg0: i32) -> (i32, i32) {
    %c0_i32 = arith.constant 0 : i32
    %c0_i32_0 = arith.constant 0 : i32
    %c0_i32_1 = arith.constant 0 : i32
    return %c0_i32, %c0_i32_0 : i32, i32
  }
}

module attributes {stable_mosaic.version = 14 : i64} {
  func.func @_mlp2_kernel(%arg0: i32, %arg1: memref<512x512xf32, #tpu.memory_space<vmem>>, %arg2: memref<2x512xf32, #tpu.memory_space<vmem>>, %arg3: memref<1x512xf32, #tpu.memory_space<vmem>>, %arg4: memref<1x512xf32, #tpu.memory_space<vmem>>, %arg5: memref<512x256xf32, #tpu.memory_space<vmem>>, %arg6: memref<1x256xf32, #tpu.memory_space<vmem>>, %arg7: memref<512x256xf32, #tpu.memory_space<vmem>>, %arg8: memref<2x256xf32, #tpu.memory_space<vmem>>) attributes {dimension_semantics = [#tpu.dimension_semantics<arbitrary>], iteration_bounds = array<i64: 32>, scalar_prefetch = 0 : i64, scratch_operands = 0 : i64, tpu.core_type = #tpu.core_type<tc>, window_params = [{transform_indices = @transform_0, window_bounds = array<i64: 512, 512>}, {pipeline_mode = #tpu.pipeline_mode<synchronous>, transform_indices = @transform_1, window_bounds = array<i64: 2, 512>}, {pipeline_mode = #tpu.pipeline_mode<synchronous>, transform_indices = @transform_2, window_bounds = array<i64: 1, 512>}, {pipeline_mode = #tpu.pipeline_mode<synchronous>, transform_indices = @transform_3, window_bounds = array<i64: 1, 512>}, {pipeline_mode = #tpu.pipeline_mode<synchronous>, transform_indices = @transform_4, window_bounds = array<i64: 512, 256>}, {pipeline_mode = #tpu.pipeline_mode<synchronous>, transform_indices = @transform_5, window_bounds = array<i64: 1, 256>}, {transform_indices = @transform_6, window_bounds = array<i64: 512, 256>}, {pipeline_mode = #tpu.pipeline_mode<synchronous>, transform_indices = @transform_7, window_bounds = array<i64: 2, 256>}]} {
    %get3A = arith.constant 0 : index
    %get3A_0 = arith.constant 0 : index
    %get3A_1 = vector.load %arg2[%get3A, %get3A_0] : memref<2x512xf32, #tpu.memory_space<vmem>>, vector<1x512xf32>
    %mul3A = arith.constant 6.10351563E-5 : f32
    %mul3A_2 = vector.broadcast %mul3A : f32 to vector<1x512xf32>
    %mul3A_3 = arith.mulf %get3A_1, %mul3A_2 : vector<1x512xf32>
    %get3A_4 = arith.constant 1 : index
    %get3A_5 = arith.constant 0 : index
    %get3A_6 = vector.load %arg2[%get3A_4, %get3A_5] : memref<2x512xf32, #tpu.memory_space<vmem>>, vector<1x512xf32>
    %mul3A_7 = arith.constant 6.10351563E-5 : f32
    %mul3A_8 = vector.broadcast %mul3A_7 : f32 to vector<1x512xf32>
    %mul3A_9 = arith.mulf %get3A_6, %mul3A_8 : vector<1x512xf32>
    %mul3A_10 = arith.mulf %mul3A_3, %mul3A_3 : vector<1x512xf32>
    %sub3A = arith.subf %mul3A_9, %mul3A_10 : vector<1x512xf32>
    %add3A = arith.constant 9.99999974E-6 : f32
    %add3A_11 = vector.broadcast %add3A : f32 to vector<1x512xf32>
    %add3A_12 = arith.addf %sub3A, %add3A_11 : vector<1x512xf32>
    %rsqrt3A = math.rsqrt %add3A_12 : vector<1x512xf32>
    %get3A_13 = arith.constant 0 : index
    %get3A_14 = arith.constant 0 : index
    %get3A_15 = vector.load %arg1[%get3A_13, %get3A_14] : memref<512x512xf32, #tpu.memory_space<vmem>>, vector<512x512xf32>
    %sub3A_16 = vector.broadcast %mul3A_3 : vector<1x512xf32> to vector<512x512xf32>
    %sub3A_17 = arith.subf %get3A_15, %sub3A_16 : vector<512x512xf32>
    %get3A_18 = arith.constant 0 : index
    %get3A_19 = arith.constant 0 : index
    %get3A_20 = vector.load %arg3[%get3A_18, %get3A_19] : memref<1x512xf32, #tpu.memory_space<vmem>>, vector<1x512xf32>
    %mul3A_21 = arith.mulf %rsqrt3A, %get3A_20 : vector<1x512xf32>
    %mul3A_22 = vector.broadcast %mul3A_21 : vector<1x512xf32> to vector<512x512xf32>
    %mul3A_23 = arith.mulf %sub3A_17, %mul3A_22 : vector<512x512xf32>
    %get3A_24 = arith.constant 0 : index
    %get3A_25 = arith.constant 0 : index
    %get3A_26 = vector.load %arg4[%get3A_24, %get3A_25] : memref<1x512xf32, #tpu.memory_space<vmem>>, vector<1x512xf32>
    %add3A_27 = vector.broadcast %get3A_26 : vector<1x512xf32> to vector<512x512xf32>
    %add3A_28 = arith.addf %mul3A_23, %add3A_27 : vector<512x512xf32>
    %max3A = arith.constant 0.000000e+00 : f32
    %max3A_29 = vector.broadcast %max3A : f32 to vector<512x512xf32>
    %max3A_30 = arith.maximumf %add3A_28, %max3A_29 : vector<512x512xf32>
    %get3A_31 = arith.constant 0 : index
    %get3A_32 = arith.constant 0 : index
    %get3A_33 = vector.load %arg5[%get3A_31, %get3A_32] : memref<512x256xf32, #tpu.memory_space<vmem>>, vector<512x256xf32>
    %dot_general3A = arith.constant dense<0.000000e+00> : vector<512x256xf32>
    %dot_general3A_34 = tpu.matmul %max3A_30, %get3A_33, %dot_general3A {dimension_numbers = #tpu.dot_dimension_numbers<[1], [0], [0], [1], [0, 0, 1, 1], [], []>, transpose_lhs_hint = false} : vector<512x512xf32>, vector<512x256xf32>, vector<512x256xf32> -> vector<512x256xf32>
    %get3A_35 = arith.constant 0 : index
    %get3A_36 = arith.constant 0 : index
    %get3A_37 = vector.load %arg6[%get3A_35, %get3A_36] : memref<1x256xf32, #tpu.memory_space<vmem>>, vector<1x256xf32>
    %add3A_38 = vector.broadcast %get3A_37 : vector<1x256xf32> to vector<512x256xf32>
    %add3A_39 = arith.addf %dot_general3A_34, %add3A_38 : vector<512x256xf32>
    %swap3A = arith.constant 0 : index
    %swap3A_40 = arith.constant 0 : index
    %swap3A_41 = vector.load %arg7[%swap3A, %swap3A_40] : memref<512x256xf32, #tpu.memory_space<vmem>>, vector<512x256xf32>
    tpu.vector_store %arg7[%swap3A, %swap3A_40], %add3A_39 {strides = array<i32>} : memref<512x256xf32, #tpu.memory_space<vmem>>, vector<512x256xf32>,
    %reduce_sum3A = arith.constant dense<0.000000e+00> : vector<256xf32>
    %reduce_sum3A_42 = vector.multi_reduction <add>, %add3A_39, %reduce_sum3A [0] : vector<512x256xf32> to vector<256xf32>
    %broadcast_in_dim3A = vector.shape_cast %reduce_sum3A_42 : vector<256xf32> to vector<1x256xf32>
    %mul3A_43 = arith.mulf %add3A_39, %add3A_39 : vector<512x256xf32>
    %reduce_sum3A_44 = arith.constant dense<0.000000e+00> : vector<256xf32>
    %reduce_sum3A_45 = vector.multi_reduction <add>, %mul3A_43, %reduce_sum3A_44 [0] : vector<512x256xf32> to vector<256xf32>
    %broadcast_in_dim3A_46 = vector.shape_cast %reduce_sum3A_45 : vector<256xf32> to vector<1x256xf32>
    %concatenate3A = tpu.concatenate %broadcast_in_dim3A, %broadcast_in_dim3A_46 in 0 : vector<1x256xf32>, vector<1x256xf32> -> vector<2x256xf32>
    %eq3A = arith.constant 0 : i32
    %eq3A_47 = arith.cmpi eq, %arg0, %eq3A : i32
    %convert_element_type3A = arith.extui %eq3A_47 : i1 to i32
    %cond3A = arith.constant 0 : i32
    %cond3A_48 = arith.cmpi ne, %convert_element_type3A, %cond3A : i32
    scf.if %cond3A_48 {
      %swap3A_53 = arith.constant 0 : index
      %swap3A_54 = arith.constant 0 : index
      %swap3A_55 = vector.load %arg8[%swap3A_53, %swap3A_54] : memref<2x256xf32, #tpu.memory_space<vmem>>, vector<2x256xf32>
      tpu.vector_store %arg8[%swap3A_53, %swap3A_54], %concatenate3A {strides = array<i32>} : memref<2x256xf32, #tpu.memory_space<vmem>>, vector<2x256xf32>,
    } else {
    }
    %gt3A = arith.constant 0 : i32
    %gt3A_49 = arith.cmpi sgt, %arg0, %gt3A : i32
    %convert_element_type3A_50 = arith.extui %gt3A_49 : i1 to i32
    %cond3A_51 = arith.constant 0 : i32
    %cond3A_52 = arith.cmpi ne, %convert_element_type3A_50, %cond3A_51 : i32
    scf.if %cond3A_52 {
      %get3A_53 = arith.constant 0 : index
      %get3A_54 = arith.constant 0 : index
      %get3A_55 = vector.load %arg8[%get3A_53, %get3A_54] : memref<2x256xf32, #tpu.memory_space<vmem>>, vector<2x256xf32>
      %add3A_56 = arith.addf %get3A_55, %concatenate3A : vector<2x256xf32>
      %swap3A_57 = arith.constant 0 : index
      %swap3A_58 = arith.constant 0 : index
      %swap3A_59 = vector.load %arg8[%swap3A_57, %swap3A_58] : memref<2x256xf32, #tpu.memory_space<vmem>>, vector<2x256xf32>
      tpu.vector_store %arg8[%swap3A_57, %swap3A_58], %add3A_56 {strides = array<i32>} : memref<2x256xf32, #tpu.memory_space<vmem>>, vector<2x256xf32>,
    } else {
    }
    return
  }
  func.func @transform_0(%arg0: i32) -> (i32, i32) {
    %c0_i32 = arith.constant 0 : i32
    %c0_i32_0 = arith.constant 0 : i32
    return %arg0, %c0_i32 : i32, i32
  }
  func.func @transform_1(%arg0: i32) -> (i32, i32) {
    %c0_i32 = arith.constant 0 : i32
    %c0_i32_0 = arith.constant 0 : i32
    %c0_i32_1 = arith.constant 0 : i32
    return %c0_i32, %c0_i32_0 : i32, i32
  }
  func.func @transform_2(%arg0: i32) -> (i32, i32) {
    %c0_i32 = arith.constant 0 : i32
    %c0_i32_0 = arith.constant 0 : i32
    %c0_i32_1 = arith.constant 0 : i32
    return %c0_i32, %c0_i32_0 : i32, i32
  }
  func.func @transform_3(%arg0: i32) -> (i32, i32) {
    %c0_i32 = arith.constant 0 : i32
    %c0_i32_0 = arith.constant 0 : i32
    %c0_i32_1 = arith.constant 0 : i32
    return %c0_i32, %c0_i32_0 : i32, i32
  }
  func.func @transform_4(%arg0: i32) -> (i32, i32) {
    %c0_i32 = arith.constant 0 : i32
    %c0_i32_0 = arith.constant 0 : i32
    %c0_i32_1 = arith.constant 0 : i32
    return %c0_i32, %c0_i32_0 : i32, i32
  }
  func.func @transform_5(%arg0: i32) -> (i32, i32) {
    %c0_i32 = arith.constant 0 : i32
    %c0_i32_0 = arith.constant 0 : i32
    %c0_i32_1 = arith.constant 0 : i32
    return %c0_i32, %c0_i32_0 : i32, i32
  }
  func.func @transform_6(%arg0: i32) -> (i32, i32) {
    %c0_i32 = arith.constant 0 : i32
    %c0_i32_0 = arith.constant 0 : i32
    return %arg0, %c0_i32 : i32, i32
  }
  func.func @transform_7(%arg0: i32) -> (i32, i32) {
    %c0_i32 = arith.constant 0 : i32
    %c0_i32_0 = arith.constant 0 : i32
    %c0_i32_1 = arith.constant 0 : i32
    return %c0_i32, %c0_i32_0 : i32, i32
  }
}

module attributes {stable_mosaic.version = 14 : i64} {
  func.func @_mlp3_kernel(%arg0: i32, %arg1: memref<512x256xf32, #tpu.memory_space<vmem>>, %arg2: memref<2x256xf32, #tpu.memory_space<vmem>>, %arg3: memref<1x256xf32, #tpu.memory_space<vmem>>, %arg4: memref<1x256xf32, #tpu.memory_space<vmem>>, %arg5: memref<256x1xf32, #tpu.memory_space<vmem>>, %arg6: memref<1x1xf32, #tpu.memory_space<vmem>>, %arg7: memref<512x1xf32, #tpu.memory_space<vmem>>) attributes {dimension_semantics = [#tpu.dimension_semantics<arbitrary>], iteration_bounds = array<i64: 32>, scalar_prefetch = 0 : i64, scratch_operands = 0 : i64, tpu.core_type = #tpu.core_type<tc>, window_params = [{transform_indices = @transform_0, window_bounds = array<i64: 512, 256>}, {pipeline_mode = #tpu.pipeline_mode<synchronous>, transform_indices = @transform_1, window_bounds = array<i64: 2, 256>}, {pipeline_mode = #tpu.pipeline_mode<synchronous>, transform_indices = @transform_2, window_bounds = array<i64: 1, 256>}, {pipeline_mode = #tpu.pipeline_mode<synchronous>, transform_indices = @transform_3, window_bounds = array<i64: 1, 256>}, {pipeline_mode = #tpu.pipeline_mode<synchronous>, transform_indices = @transform_4, window_bounds = array<i64: 256, 1>}, {pipeline_mode = #tpu.pipeline_mode<synchronous>, transform_indices = @transform_5, window_bounds = array<i64: 1, 1>}, {transform_indices = @transform_6, window_bounds = array<i64: 512, 1>}]} {
    %get3A = arith.constant 0 : index
    %get3A_0 = arith.constant 0 : index
    %get3A_1 = vector.load %arg2[%get3A, %get3A_0] : memref<2x256xf32, #tpu.memory_space<vmem>>, vector<1x256xf32>
    %mul3A = arith.constant 6.10351563E-5 : f32
    %mul3A_2 = vector.broadcast %mul3A : f32 to vector<1x256xf32>
    %mul3A_3 = arith.mulf %get3A_1, %mul3A_2 : vector<1x256xf32>
    %get3A_4 = arith.constant 1 : index
    %get3A_5 = arith.constant 0 : index
    %get3A_6 = vector.load %arg2[%get3A_4, %get3A_5] : memref<2x256xf32, #tpu.memory_space<vmem>>, vector<1x256xf32>
    %mul3A_7 = arith.constant 6.10351563E-5 : f32
    %mul3A_8 = vector.broadcast %mul3A_7 : f32 to vector<1x256xf32>
    %mul3A_9 = arith.mulf %get3A_6, %mul3A_8 : vector<1x256xf32>
    %mul3A_10 = arith.mulf %mul3A_3, %mul3A_3 : vector<1x256xf32>
    %sub3A = arith.subf %mul3A_9, %mul3A_10 : vector<1x256xf32>
    %add3A = arith.constant 9.99999974E-6 : f32
    %add3A_11 = vector.broadcast %add3A : f32 to vector<1x256xf32>
    %add3A_12 = arith.addf %sub3A, %add3A_11 : vector<1x256xf32>
    %rsqrt3A = math.rsqrt %add3A_12 : vector<1x256xf32>
    %get3A_13 = arith.constant 0 : index
    %get3A_14 = arith.constant 0 : index
    %get3A_15 = vector.load %arg1[%get3A_13, %get3A_14] : memref<512x256xf32, #tpu.memory_space<vmem>>, vector<512x256xf32>
    %sub3A_16 = vector.broadcast %mul3A_3 : vector<1x256xf32> to vector<512x256xf32>
    %sub3A_17 = arith.subf %get3A_15, %sub3A_16 : vector<512x256xf32>
    %get3A_18 = arith.constant 0 : index
    %get3A_19 = arith.constant 0 : index
    %get3A_20 = vector.load %arg3[%get3A_18, %get3A_19] : memref<1x256xf32, #tpu.memory_space<vmem>>, vector<1x256xf32>
    %mul3A_21 = arith.mulf %rsqrt3A, %get3A_20 : vector<1x256xf32>
    %mul3A_22 = vector.broadcast %mul3A_21 : vector<1x256xf32> to vector<512x256xf32>
    %mul3A_23 = arith.mulf %sub3A_17, %mul3A_22 : vector<512x256xf32>
    %get3A_24 = arith.constant 0 : index
    %get3A_25 = arith.constant 0 : index
    %get3A_26 = vector.load %arg4[%get3A_24, %get3A_25] : memref<1x256xf32, #tpu.memory_space<vmem>>, vector<1x256xf32>
    %add3A_27 = vector.broadcast %get3A_26 : vector<1x256xf32> to vector<512x256xf32>
    %add3A_28 = arith.addf %mul3A_23, %add3A_27 : vector<512x256xf32>
    %max3A = arith.constant 0.000000e+00 : f32
    %max3A_29 = vector.broadcast %max3A : f32 to vector<512x256xf32>
    %max3A_30 = arith.maximumf %add3A_28, %max3A_29 : vector<512x256xf32>
    %get3A_31 = arith.constant 0 : index
    %get3A_32 = arith.constant 0 : index
    %get3A_33 = vector.load %arg5[%get3A_31, %get3A_32] : memref<256x1xf32, #tpu.memory_space<vmem>>, vector<256x1xf32>
    %dot_general3A = arith.constant dense<0.000000e+00> : vector<512x1xf32>
    %dot_general3A_34 = tpu.matmul %max3A_30, %get3A_33, %dot_general3A {dimension_numbers = #tpu.dot_dimension_numbers<[1], [0], [0], [1], [0, 0, 1, 1], [], []>, transpose_lhs_hint = false} : vector<512x256xf32>, vector<256x1xf32>, vector<512x1xf32> -> vector<512x1xf32>
    %get3A_35 = arith.constant 0 : index
    %get3A_36 = arith.constant 0 : index
    %get3A_37 = vector.load %arg6[%get3A_35, %get3A_36] : memref<1x1xf32, #tpu.memory_space<vmem>>, vector<1x1xf32>
    %add3A_38 = vector.broadcast %get3A_37 : vector<1x1xf32> to vector<512x1xf32>
    %add3A_39 = arith.addf %dot_general3A_34, %add3A_38 : vector<512x1xf32>
    %swap3A = arith.constant 0 : index
    %swap3A_40 = arith.constant 0 : index
    %swap3A_41 = vector.load %arg7[%swap3A, %swap3A_40] : memref<512x1xf32, #tpu.memory_space<vmem>>, vector<512x1xf32>
    tpu.vector_store %arg7[%swap3A, %swap3A_40], %add3A_39 {strides = array<i32>} : memref<512x1xf32, #tpu.memory_space<vmem>>, vector<512x1xf32>,
    return
  }
  func.func @transform_0(%arg0: i32) -> (i32, i32) {
    %c0_i32 = arith.constant 0 : i32
    %c0_i32_0 = arith.constant 0 : i32
    return %arg0, %c0_i32 : i32, i32
  }
  func.func @transform_1(%arg0: i32) -> (i32, i32) {
    %c0_i32 = arith.constant 0 : i32
    %c0_i32_0 = arith.constant 0 : i32
    %c0_i32_1 = arith.constant 0 : i32
    return %c0_i32, %c0_i32_0 : i32, i32
  }
  func.func @transform_2(%arg0: i32) -> (i32, i32) {
    %c0_i32 = arith.constant 0 : i32
    %c0_i32_0 = arith.constant 0 : i32
    %c0_i32_1 = arith.constant 0 : i32
    return %c0_i32, %c0_i32_0 : i32, i32
  }
  func.func @transform_3(%arg0: i32) -> (i32, i32) {
    %c0_i32 = arith.constant 0 : i32
    %c0_i32_0 = arith.constant 0 : i32
    %c0_i32_1 = arith.constant 0 : i32
    return %c0_i32, %c0_i32_0 : i32, i32
  }
  func.func @transform_4(%arg0: i32) -> (i32, i32) {
    %c0_i32 = arith.constant 0 : i32
    %c0_i32_0 = arith.constant 0 : i32
    %c0_i32_1 = arith.constant 0 : i32
    return %c0_i32, %c0_i32_0 : i32, i32
  }
  func.func @transform_5(%arg0: i32) -> (i32, i32) {
    %c0_i32 = arith.constant 0 : i32
    %c0_i32_0 = arith.constant 0 : i32
    %c0_i32_1 = arith.constant 0 : i32
    return %c0_i32, %c0_i32_0 : i32, i32
  }
  func.func @transform_6(%arg0: i32) -> (i32, i32) {
    %c0_i32 = arith.constant 0 : i32
    %c0_i32_0 = arith.constant 0 : i32
    return %arg0, %c0_i32 : i32, i32
  }
}

</mosaic_0001>

<sc_bundles>
// kernel: kernel.6.cloned.1.call-start
scs
__scs_entry_jumppad:
0x0: {  	(pc) =	sbr.rel $0x88, $3  }
0x1: {  	(tag) =	ssettag $0x0;
	lr =	simm.s32 $0x1  }
0x2: {  	[smem:$0x3F94] =	sst lr;
	_ =	strace $0xD0000000  }
0x3: {  	_ = 	snop  }
0x4: {  	_ = 	snop  }
0x5: {  	_ = 	snop  }
0x6: {  	_ = 	snop  }
0x7: {  	_ = 	snop  }
__scs_overlays_trampoline_lowered:
0x8: {  	[smem:$0x3FA3] =	sst s0  }
0x9: {  	[smem:$0x3FA4] =	sst s1  }
0xa: {  	[smem:$0x3FA5] =	sst s2  }
0xb: {  	[smem:$0x3FA6] =	sst s3  }
0xc: {  	[smem:$0x3FA7] =	sst s4  }
0xd: {  	[smem:$0x3FA8] =	sst s5  }
0xe: {  	[smem:$0x3FA9] =	sst s6  }
0xf: {  	[smem:$0x3FAA] =	sst s7  }
0x10: {  	[smem:$0x3FAB] =	sst s8  }
0x11: {  	[smem:$0x3FAC] =	sst s9;
	s0 =	simm.s32 @!p0 $0x0  }
0x12: {  	s1 =	sld [smem:$0x3F92];
	s0 =	simm.s32 @p0 $0x1  }
0x13: {  	[smem:$0x3FAD] =	sst s0;
	s0 =	simm.s32 @!p1 $0x0  }
0x14: {  	s2 =	sld [smem:$0x3F91];
	s0 =	simm.s32 @p1 $0x1  }
0x15: {  	[smem:$0x3FAE] =	sst s0;
	s0 =	simm.s32 @!p2 $0x0  }
0x16: {  	s3 =	sld [smem:$0x3FDB];
	s0 =	simm.s32 @p2 $0x1  }
0x17: {  	s4 =	simm.s32 $0x1BF5;
	[smem:$0x3FB0] =	sst s0  }
0x18: {  	s0 =	sld [smem:$0x3F93];
	_ =	swait.ge [sflag:s4], $0x0  }
0x19: {  	s7 =	sld [smem:$0x3F94]  }
0x1a: {  	s8 =	sadd.s32 $0xFFFFE003, lr  }
0x1b: {  	s9 =	sadd.s32 $0xFFFFFEF7, lr;
	s5 =	simm.s32 $0xFFFFFFFF;
	p2 =	slt.u32 s8, $0xFFFFF086  }
0x1c: {  	p1 =	slt.u32 s9, $0xF7A;
	s5 =	simm.s32 @!p2 $0x0  }
0x1d: {  	s5 =	simm.s32 @p1 $0x1;
	p0 =	seq.s32 s7, s2  }
0x1e: {  	s7 =	smul.u32 @!p0 $0xF7A, s2;
	p2 =	seq.s32 @!p0 s5, $0x0  }
0x1f: {  	s9 =	smul.u32 $0xF7A, s1;
	s8 =	simm.s32 @!p0 $0x1BF5;
	p2 =	por !p2, p0  }
0x20: {  	[sflag:s8] =	ssyncset.s32 @!p0 $0xFFFFF086;
	s6 =	sadd.s32 @!p0 s3, s7;
	s7 =	simm.s32 @!p0 $0x108  }
0x21: {  	s3 =	sadd.s32 s3, s9;
	s6 =	sadd.s32 @!p0 $0x88, s6;
	s7 =	simm.s32 @p2 $0x1082  }
0x22: {  	[simem:s7], [sflag:s8] =	dma.local @!p0 [hbm:s6], $0xF7A  }
0x23: {  	s9 =	sor.u32 $0xD0000000, s2;
	s6 =	simm.s32 $0x108;
	_ =	swait.ge @!p0 [sflag:s8], $0x0  }
0x24: {  	s3 =	sadd.s32 $0x88, s3;
	s6 =	simm.s32 @!p1 $0x1082;
	[sflag:s4] =	ssyncset.s32 $0xFFFFF086  }
0x25: {  	[simem:s6], [sflag:s4] =	dma.local [hbm:s3], $0xF7A  }
0x26: {  	[smem:$0x3F94] =	sst s1;
	(tag) =	ssettag s2;
	_ =	strace s9  }
0x27: {  	s1 =	sld [smem:$0x3FA4]  }
0x28: {  	s2 =	sld [smem:$0x3FA5]  }
0x29: {  	s4 =	sld [smem:$0x3FA7]  }
0x2a: {  	p0 =	seq.s32 s5, $0x0;
	s5 =	sld [smem:$0x3FA8]  }
0x2b: {  	s6 =	sld [smem:$0x3FA9]  }
0x2c: {  	s7 =	sld [smem:$0x3FAA]  }
0x2d: {  	s3 =	simm.s32 $0x108;
	s8 =	sld [smem:$0x3FAB]  }
0x2e: {  	s3 =	simm.s32 @!p0 $0x1082;
	s9 =	sld [smem:$0x3FAC]  }
0x2f: {  	lr =	sadd.s32 s0, s3;
	s0 =	sld [smem:$0x3FA3]  }
0x30: {  	s3 =	sld [smem:$0x3FA6]  }
0x31: {  	[smem:$0x3FAF] =	sst s10  }
0x32: {  	s10 =	sld [smem:$0x3FAD];
	_ =	sdelay $0x3  }
0x33: {  	p0 =	seq.s32 s10, $0x1;
	s10 =	sld [smem:$0x3FAF];
	_ =	sdelay $0x3  }
0x34: {  	[smem:$0x3FAF] =	sst s10  }
0x35: {  	s10 =	sld [smem:$0x3FAE];
	_ =	sdelay $0x3  }
0x36: {  	p1 =	seq.s32 s10, $0x1;
	s10 =	sld [smem:$0x3FAF];
	_ =	sdelay $0x3  }
0x37: {  	[smem:$0x3FAF] =	sst s10  }
0x38: {  	s10 =	sld [smem:$0x3FB0]  }
0x39: {  	_ = 	snop;
	(pc) =	sbr.ind lr, $3  }
0x3a: {  	_ = 	snop  }
0x3b: {  	_ = 	snop  }
0x3c: {  	p2 =	seq.s32 s10, $0x1;
	s10 =	sld [smem:$0x3FAF]  }
0x3d: {  	_ =	shalt  }
0x3e: {  	_ =	shalt  }
0x3f: {  	_ =	shalt  }
0x40: {  	_ =	shalt  }
0x41: {  	_ =	shalt  }
0x42: {  	_ =	shalt  }
0x43: {  	_ =	shalt  }
0x44: {  	_ =	shalt  }
0x45: {  	_ =	shalt  }
0x46: {  	_ =	shalt  }
0x47: {  	_ =	shalt  }
0x48: {  	_ =	shalt  }
0x49: {  	_ =	shalt  }
0x4a: {  	_ =	shalt  }
0x4b: {  	_ =	shalt  }
0x4c: {  	_ =	shalt  }
0x4d: {  	_ =	shalt  }
0x4e: {  	_ =	shalt  }
0x4f: {  	_ =	shalt  }
0x50: {  	_ =	shalt  }
0x51: {  	_ =	shalt  }
0x52: {  	_ =	shalt  }
0x53: {  	_ =	shalt  }
0x54: {  	_ =	shalt  }
0x55: {  	_ =	shalt  }
0x56: {  	_ =	shalt  }
0x57: {  	_ =	shalt  }
0x58: {  	_ =	shalt  }
0x59: {  	_ =	shalt  }
0x5a: {  	_ =	shalt  }
0x5b: {  	_ =	shalt  }
0x5c: {  	_ =	shalt  }
0x5d: {  	_ =	shalt  }
0x5e: {  	_ =	shalt  }
0x5f: {  	_ =	shalt  }
0x60: {  	_ =	shalt  }
0x61: {  	_ =	shalt  }
0x62: {  	_ =	shalt  }
0x63: {  	_ =	shalt  }
0x64: {  	_ =	shalt  }
0x65: {  	_ =	shalt  }
0x66: {  	_ =	shalt  }
0x67: {  	_ =	shalt  }
0x68: {  	_ =	shalt  }
0x69: {  	_ =	shalt  }
0x6a: {  	_ =	shalt  }
0x6b: {  	_ =	shalt  }
0x6c: {  	_ =	shalt  }
0x6d: {  	_ =	shalt  }
0x6e: {  	_ =	shalt  }
0x6f: {  	_ =	shalt  }
0x70: {  	_ =	shalt  }
0x71: {  	_ =	shalt  }
0x72: {  	_ =	shalt  }
0x73: {  	_ =	shalt  }
0x74: {  	_ =	shalt  }
0x75: {  	_ =	shalt  }
0x76: {  	_ =	shalt  }
0x77: {  	_ =	shalt  }
0x78: {  	_ =	shalt  }
0x79: {  	_ =	shalt  }
0x7a: {  	_ =	shalt  }
0x7b: {  	_ =	shalt  }
0x7c: {  	_ =	shalt  }
0x7d: {  	_ =	shalt  }
0x7e: {  	_ =	shalt  }
0x7f: {  	_ =	shalt  }
0x80: {  	_ =	shalt  }
0x81: {  	_ =	shalt  }
0x82: {  	_ =	shalt  }
0x83: {  	_ =	shalt  }
0x84: {  	_ =	shalt  }
0x85: {  	_ =	shalt  }
0x86: {  	_ =	shalt  }
0x87: {  	_ =	shalt  }
.Lfunc_end0:
.L_simem_size_0:
called_computation_lowered:
.L_overlay_start_0:
0x88: {  	s2 =	sld [smem:$0x3FD9]  }
0x89: {  	s3 =	sld [smem:$0x3FFE];
	_ =	sdelay $0x1  }
0x8a: {  	s1 =	srdreg.scid  }
0x8b: {  	s0 =	sand.u32 $0x1, s1  }
0x8c: {  	s16 =	sshll.u32 s0, $0xA;
	s2 =	sadd.s32 s3, s2  }
0x8d: {  	s2 =	sadd.s32 s2, s16  }
0x8e: {  	[smem:$0x3FBB] =	sst s2  }
0x8f: {  	_ = 	snop  }
0x90: {  	(tm) =	ssettm $0x1  }
0x91: {  	s17 =	sld [smem:$0x3FFB];
	_ =	sdelay $0x3  }
0x92: {  	_ =	strace s17  }
0x93: {  	s2 =	sld [smem:$0x3FFC];
	_ =	sdelay $0x3  }
0x94: {  	_ =	strace s2  }
0x95: {  	s2 =	sld [smem:$0x3FFD];
	_ =	sdelay $0x3  }
0x96: {  	_ =	strace s2  }
0x97: {  	_ =	strace $0x8FFFFFFF  }
0x98: {  	s18 =	sld [smem:$0x3FDB];
	_ =	sdelay $0x1  }
0x99: {  	s19 =	simm.s32 $_scs_section_size  }
0x9a: {  	s4 =	simm.s32 $_size__tile_overlayer_lowered;
	s5 =	simm.s32 $_tile_overlayer_lowered  }
0x9b: {  	s22 =	simm.s32 $0x1BFF;
	s21 =	sshll.u32 s5, $0x1;
	s2 =	sadd.s32 s19, s18  }
0x9c: {  	s6 =	simm.s32 $0x0;
	s20 =	sshll.u32 s4, $0x1;
	s4 =	sadd.s32 s21, s2  }
0x9d: {  	[timem:s6], [sflag:s22] =	dma.local [hbm:s4], s20  }
0x9e: {  	_ =	swait.ge [sflag:s22], s20  }
0x9f: {  	s3 =	ssub.s32 $0x0, s20;
	[sflag:s22] =	ssyncset.done $0x0  }
0xa0: {  	[sflag:s22] =	ssyncadd.s32 s3;
	_ =	sdelay $0x1  }
0xa1: {  	s23 =	simm.s32 $0x1B8B  }
0xa2: {  	_ =	swait.ge [sflag:s23], $0x1  }
0xa3: {  	[sflag:s23] =	ssyncset.done $0x0  }
0xa4: {  	s25 =	simm.s32 $0x1B8E;
	s24 =	sld [smem:$0x3FFE];
	[sflag:s23] =	ssyncadd.s32 $0xFFFFFFFF  }
0xa5: {  	s26 =	simm.s32 $execute0_lowered;
	[smem:$0x3FD2] =	sst s25  }
0xa6: {  	s4 =	sshll.u32 s26, $0x1;
	_ =	strace $0x80000046;
	[dreg:$0x1] =	wrdreg $0xFFFFFFFF  }
0xa7: {  	s28 =	simm.s32 $_size_execute0_lowered;
	s2 =	sadd.s32 s2, s4;
	[dreg:$0x0] =	wrdreg $0x0  }
0xa8: {  	s4 =	sshll.u32 s28, $0x1;
	[dreg:$0x2] =	wrdreg s2  }
0xa9: {  	[dreg:$0x3] =	wrdreg s4  }
0xaa: {  	[dreg:$0x4] =	wrdreg $0xC0  }
0xab: {  	_ =	task [dreg:s6], $0x5FFFF  }
0xac: {  	[dreg:$0x1] =	wrdreg $0xFFFFFFFF  }
0xad: {  	[dreg:$0x0] =	wrdreg $0x60  }
0xae: {  	[dreg:$0x2] =	wrdreg s24  }
0xaf: {  	[dreg:$0x3] =	wrdreg $0x9  }
0xb0: {  	_ =	task.clear_ibuf [dreg:s6], $0x4FFFF;
	_ =	strace $0x90000046  }
0xb1: {  	s29 =	simm.s32 $0x9;
	_ =	strace $0x80000048  }
0xb2: {  	_ =	swait.ge [sflag:s29], $0x1  }
0xb3: {  	[sflag:s29] =	ssyncadd.s32 $0xFFFFFFFF  }
0xb4: {  	_ =	strace $0x90000048  }
0xb5: {  	_ =	sfence  }
0xb6: {  	s30 =	sld [smem:$0x0];
	_ =	sdelay $0x2  }
0xb7: {  	s31 =	sshll.u32 s1, $0xD;
	s1 =	sshrl.u32 s1, $0x2  }
0xb8: {  	s3 =	sand.u32 $0x4000, s31;
	s1 =	sadd.s32 s1, s30  }
0xb9: {  	s0 =	sor.u32 s3, s0;
	s1 =	sshll.u32 s1, $0x11  }
0xba: {  	s0 =	sor.u32 s1, s0  }
0xbb: {  	s0 =	sadd.s32 $0x8F2B, s0  }
0xbc: {  	[sflag:s0] =	ssyncadd.remote.s32 $0x1  }
0xbd: {  	_ =	sfence.sel $0xFFFF  }
0xbe: {  	[dreg:$0x0] =	wrdreg $0xFFFFFFFF;
	(pc) =	sbr.abs _section_cstart, $3  }
0xbf: {  	[dreg:$0x1] =	wrdreg $0xFFFFFFFF  }
0xc0: {  	_ =	task.clear_ibuf [dreg:s6], $0x2FFFF;
	_ =	strace $0x9FFFFFFF  }
0xc1: {  	(tm) =	ssettm $0x7FFFFFFF  }
tec
execute0_lowered:
.L_overlay_start_1:
0x0: {  	(tag) =	ssettag $0x1  }
0x1: {  	s1 =	srdreg.scid  }
0x2: {  	s0 =	stileid.u32;
	s7 =	rddreg [dreg:$0x0];
	s2 =	simm.s32 $0x0  }
0x3: {  	s11 =	simm.s32 $0x5400;
	s12 =	simm.s32 $0x7400;
	s13 =	simm.s32 $0x9400  }
0x4: {  	s14 =	simm.s32 $0xB400;
	s15 =	simm.s32 $0xD400;
	s16 =	simm.s32 $0xF400  }
0x5: {  	s17 =	simm.s32 $0x11400;
	s18 =	simm.s32 $0x1;
	s6 =	smul.u32 $0x1A0000, s0  }
0x6: {  	s19 =	simm.s32 $0x0;
	s4 =	sand.u32 $0x1, s1;
	s9 =	smul.u32 $0x6800, s0  }
0x7: {  	s21 =	sshll.u32 s0, $0x1;
	[smem:$0x7FF] =	sst s2;
	s8 =	smul.u32 $0xD0000, s4  }
0x8: {  	s3 =	sadd.s32 $0x2200, s7;
	s1 =	sor.u32 s4, s21;
	s10 =	smul.u32 $0x3400, s4  }
0x9: {  	s23 =	sadd.s32 $0x13E5400, s7;
	s4 =	ssub.s32 $0x2, s4;
	s5 =	smul.u32 $0x3400, s1  }
0xa: {  	s1 =	rddreg [dreg:$0x1];
	_ =	strace $0x80000047;
	s26 =	sshrl.u32 s4, $0x1  }
0xb: {  	s6 =	sadd.s32 s8, s6;
	s22 =	sadd.s32 s10, s9;
	s9 =	simm.s32 $0x80  }
0xc: {  	s10 =	simm.s32 $0x3400;
	s6 =	sshrl.u32 s6, $0x3;
	s8 =	sshll.u32 s22, $0x3  }
0xd: {  	s5 =	sshrl.u32 s5, $0x3;
	s6 =	sadd.s32 s6, s23;
	s24 =	sadd.s32 s8, s23  }
0xe: {  	s5 =	sadd.s32 s5, s7;
	[dreg:$0x2] =	wrdreg s6;
	s25 =	sadd.s32 $0x1800, s24  }
0xf: {  	s8 =	ssub.s32 s4, s26;
	s28 =	sadd.s32 $0x1400, s24;
	[dreg:$0x3] =	wrdreg s25  }
0x10: {  	s29 =	sadd.s32 $0x1000, s24;
	s4 =	sadd.s32 $0x13D8400, s5;
	[dreg:$0x4] =	wrdreg s28  }
0x11: {  	s30 =	sadd.s32 $0xC00, s24;
	s5 =	smax.u32 s8, $0x1;
	[dreg:$0x5] =	wrdreg s29  }
0x12: {  	s31 =	sadd.s32 $0x800, s24;
	s6 =	sadd.s32 $0x400, s24;
	[dreg:$0x6] =	wrdreg s30  }
0x13: {  	s7 =	sadd.s32 $0x1C00, s24;
	s8 =	simm.s32 $0x2;
	[dreg:$0x7] =	wrdreg s31  }
.LBB2_1:
0x14: {  	[tilespmem:s2], [sflag:$0x2] =	stream.linear.gather [hbm4b:s4+s2], $0x3400, $0x38;
	[tilespmem:$0x13400] =	vst v63  }
0x15: {  	_ =	swait.ge [sflag:s8], $0x3400  }
0x16: {  	[sflag:s8] =	ssyncset.done $0x0  }
0x17: {  	[sflag:s8] =	ssyncadd.s32 $0xFFFFCC00  }
0x18: {  	[tilespmem:s10], [sflag:$0x1] =	stream.indirect.gather [hbm4b:s3+s9], $0x40, s2, s9, $0xb8;
	[tilespmem:$0x13400] =	vst v63  }
0x19: {  	s20 =	simm.s32 $0x80  }
0x1a: {  	[tilespmem:s11], [sflag:$0x1] =	stream.indirect.gather [hbm4b:s3+s9], $0x40, s20, s9, $0xb8;
	[tilespmem:$0x13400] =	vst v63  }
0x1b: {  	s28 =	simm.s32 $0x100  }
0x1c: {  	[tilespmem:s12], [sflag:$0x1] =	stream.indirect.gather [hbm4b:s3+s9], $0x40, s28, s9, $0xb8;
	[tilespmem:$0x13400] =	vst v63  }
0x1d: {  	s29 =	simm.s32 $0x180  }
0x1e: {  	[tilespmem:s13], [sflag:$0x1] =	stream.indirect.gather [hbm4b:s3+s9], $0x40, s29, s9, $0xb8;
	[tilespmem:$0x13400] =	vst v63  }
0x1f: {  	s30 =	simm.s32 $0x200  }
0x20: {  	[tilespmem:s14], [sflag:$0x1] =	stream.indirect.gather [hbm4b:s3+s9], $0x40, s30, s9, $0xb8;
	[tilespmem:$0x13400] =	vst v63  }
0x21: {  	s31 =	simm.s32 $0x280  }
0x22: {  	[tilespmem:s15], [sflag:$0x1] =	stream.indirect.gather [hbm4b:s3+s9], $0x40, s31, s9, $0xb8;
	[tilespmem:$0x13400] =	vst v63  }
0x23: {  	s21 =	simm.s32 $0x300  }
0x24: {  	[tilespmem:s16], [sflag:$0x1] =	stream.indirect.gather [hbm4b:s3+s9], $0x40, s21, s9, $0xb8;
	[tilespmem:$0x13400] =	vst v63  }
0x25: {  	s22 =	simm.s32 $0x380  }
0x26: {  	[tilespmem:s17], [sflag:$0x1] =	stream.indirect.gather [hbm4b:s3+s9], $0x40, s22, s9, $0xb8;
	[tilespmem:$0x13400] =	vst v63  }
0x27: {  	_ =	swait.ge [sflag:s18], $0x2000  }
0x28: {  	s23 =	rddreg [dreg:$0x2];
	[sflag:s18] =	ssyncset.done $0x0  }
0x29: {  	[sflag:s18] =	ssyncadd.s32 $0xFFFFE000;
	s20 =	sadd.s32 $0x0, s23  }
0x2a: {  	[hbm4b:s20+s2] =	stream.linear.scatter [tilespmem:s10], [sflag:$0x2], $0x2000, $0x38;
	[tilespmem:$0x13400] =	vst v63  }
0x2b: {  	_ =	swait.ge [sflag:s8], $0x2000  }
0x2c: {  	[sflag:s8] =	ssyncset.done $0x0  }
0x2d: {  	[sflag:s8] =	ssyncadd.s32 $0xFFFFE000  }
0x2e: {  	_ =	swait.ge [sflag:s18], $0x2000  }
0x2f: {  	[sflag:s18] =	ssyncset.done $0x0  }
0x30: {  	s24 =	sadd.s32 $0x0, s6;
	[sflag:s18] =	ssyncadd.s32 $0xFFFFE000  }
0x31: {  	[hbm4b:s24+s2] =	stream.linear.scatter [tilespmem:s11], [sflag:$0x2], $0x2000, $0x38;
	[tilespmem:$0x13400] =	vst v63  }
0x32: {  	_ =	swait.ge [sflag:s8], $0x2000  }
0x33: {  	[sflag:s8] =	ssyncset.done $0x0  }
0x34: {  	[sflag:s8] =	ssyncadd.s32 $0xFFFFE000  }
0x35: {  	_ =	swait.ge [sflag:s18], $0x2000  }
0x36: {  	s25 =	rddreg [dreg:$0x7];
	[sflag:s18] =	ssyncset.done $0x0  }
0x37: {  	[sflag:s18] =	ssyncadd.s32 $0xFFFFE000;
	s20 =	sadd.s32 $0x0, s25  }
0x38: {  	[hbm4b:s20+s2] =	stream.linear.scatter [tilespmem:s12], [sflag:$0x2], $0x2000, $0x38;
	[tilespmem:$0x13400] =	vst v63  }
0x39: {  	_ =	swait.ge [sflag:s8], $0x2000  }
0x3a: {  	[sflag:s8] =	ssyncset.done $0x0  }
0x3b: {  	[sflag:s8] =	ssyncadd.s32 $0xFFFFE000  }
0x3c: {  	_ =	swait.ge [sflag:s18], $0x2000  }
0x3d: {  	s26 =	rddreg [dreg:$0x6];
	[sflag:s18] =	ssyncset.done $0x0  }
0x3e: {  	[sflag:s18] =	ssyncadd.s32 $0xFFFFE000;
	s20 =	sadd.s32 $0x0, s26  }
0x3f: {  	[hbm4b:s20+s2] =	stream.linear.scatter [tilespmem:s13], [sflag:$0x2], $0x2000, $0x38;
	[tilespmem:$0x13400] =	vst v63  }
0x40: {  	_ =	swait.ge [sflag:s8], $0x2000  }
0x41: {  	[sflag:s8] =	ssyncset.done $0x0  }
0x42: {  	[sflag:s8] =	ssyncadd.s32 $0xFFFFE000  }
0x43: {  	_ =	swait.ge [sflag:s18], $0x2000  }
0x44: {  	s28 =	rddreg [dreg:$0x5];
	[sflag:s18] =	ssyncset.done $0x0  }
0x45: {  	[sflag:s18] =	ssyncadd.s32 $0xFFFFE000;
	s20 =	sadd.s32 $0x0, s28  }
0x46: {  	[hbm4b:s20+s2] =	stream.linear.scatter [tilespmem:s14], [sflag:$0x2], $0x2000, $0x38;
	[tilespmem:$0x13400] =	vst v63  }
0x47: {  	_ =	swait.ge [sflag:s8], $0x2000  }
0x48: {  	[sflag:s8] =	ssyncset.done $0x0  }
0x49: {  	[sflag:s8] =	ssyncadd.s32 $0xFFFFE000  }
0x4a: {  	_ =	swait.ge [sflag:s18], $0x2000  }
0x4b: {  	s29 =	rddreg [dreg:$0x4];
	[sflag:s18] =	ssyncset.done $0x0  }
0x4c: {  	[sflag:s18] =	ssyncadd.s32 $0xFFFFE000;
	s20 =	sadd.s32 $0x0, s29  }
0x4d: {  	[hbm4b:s20+s2] =	stream.linear.scatter [tilespmem:s15], [sflag:$0x2], $0x2000, $0x38;
	[tilespmem:$0x13400] =	vst v63  }
0x4e: {  	_ =	swait.ge [sflag:s8], $0x2000  }
0x4f: {  	[sflag:s8] =	ssyncset.done $0x0  }
0x50: {  	[sflag:s8] =	ssyncadd.s32 $0xFFFFE000  }
0x51: {  	_ =	swait.ge [sflag:s18], $0x2000  }
0x52: {  	s30 =	rddreg [dreg:$0x3];
	[sflag:s18] =	ssyncset.done $0x0  }
0x53: {  	[sflag:s18] =	ssyncadd.s32 $0xFFFFE000;
	s20 =	sadd.s32 $0x0, s30  }
0x54: {  	[hbm4b:s20+s2] =	stream.linear.scatter [tilespmem:s16], [sflag:$0x2], $0x2000, $0x38;
	[tilespmem:$0x13400] =	vst v63  }
0x55: {  	_ =	swait.ge [sflag:s8], $0x2000  }
0x56: {  	[sflag:s8] =	ssyncset.done $0x0  }
0x57: {  	[sflag:s8] =	ssyncadd.s32 $0xFFFFE000  }
0x58: {  	_ =	swait.ge [sflag:s18], $0x2000  }
0x59: {  	[sflag:s18] =	ssyncset.done $0x0  }
0x5a: {  	s31 =	sadd.s32 $0x0, s7;
	[sflag:s18] =	ssyncadd.s32 $0xFFFFE000  }
0x5b: {  	[hbm4b:s31+s2] =	stream.linear.scatter [tilespmem:s17], [sflag:$0x2], $0x2000, $0x38;
	[tilespmem:$0x13400] =	vst v63  }
0x5c: {  	_ =	swait.ge [sflag:s8], $0x2000  }
0x5d: {  	s21 =	simm.s32 $0x0;
	s20 =	simm.s32 $0x2000;
	[sflag:s8] =	ssyncset.done $0x0  }
.LBB2_2:
0x5e: {  	[sflag:s8] =	ssyncadd.s32 $0xFFFFE000;
	s21 =	sadd.s32 $0x400, s21  }
0x5f: {  	[tilespmem:s10], [sflag:$0x1] =	stream.indirect.gather [hbm4b:s3+s9], $0x40, s21, s9, $0xb8;
	[tilespmem:$0x13400] =	vst v63  }
0x60: {  	s23 =	sadd.s32 $0x80, s21  }
0x61: {  	[tilespmem:s11], [sflag:$0x1] =	stream.indirect.gather [hbm4b:s3+s9], $0x40, s23, s9, $0xb8;
	[tilespmem:$0x13400] =	vst v63  }
0x62: {  	s25 =	sadd.s32 $0x100, s21  }
0x63: {  	[tilespmem:s12], [sflag:$0x1] =	stream.indirect.gather [hbm4b:s3+s9], $0x40, s25, s9, $0xb8;
	[tilespmem:$0x13400] =	vst v63  }
0x64: {  	s26 =	sadd.s32 $0x180, s21  }
0x65: {  	[tilespmem:s13], [sflag:$0x1] =	stream.indirect.gather [hbm4b:s3+s9], $0x40, s26, s9, $0xb8;
	[tilespmem:$0x13400] =	vst v63  }
0x66: {  	s28 =	sadd.s32 $0x200, s21  }
0x67: {  	[tilespmem:s14], [sflag:$0x1] =	stream.indirect.gather [hbm4b:s3+s9], $0x40, s28, s9, $0xb8;
	[tilespmem:$0x13400] =	vst v63  }
0x68: {  	s29 =	sadd.s32 $0x280, s21  }
0x69: {  	[tilespmem:s15], [sflag:$0x1] =	stream.indirect.gather [hbm4b:s3+s9], $0x40, s29, s9, $0xb8;
	[tilespmem:$0x13400] =	vst v63  }
0x6a: {  	s30 =	sadd.s32 $0x300, s21  }
0x6b: {  	[tilespmem:s16], [sflag:$0x1] =	stream.indirect.gather [hbm4b:s3+s9], $0x40, s30, s9, $0xb8;
	[tilespmem:$0x13400] =	vst v63  }
0x6c: {  	s31 =	sadd.s32 $0x380, s21  }
0x6d: {  	[tilespmem:s17], [sflag:$0x1] =	stream.indirect.gather [hbm4b:s3+s9], $0x40, s31, s9, $0xb8;
	[tilespmem:$0x13400] =	vst v63  }
0x6e: {  	_ =	swait.ge [sflag:s18], $0x2000  }
0x6f: {  	s22 =	smov.u32 s20;
	s24 =	rddreg [dreg:$0x2];
	[sflag:s18] =	ssyncset.done $0x0  }
0x70: {  	[sflag:s18] =	ssyncadd.s32 $0xFFFFE000;
	s23 =	sadd.s32 s22, s24  }
0x71: {  	[hbm4b:s23+s2] =	stream.linear.scatter [tilespmem:s10], [sflag:$0x2], $0x2000, $0x38;
	[tilespmem:$0x13400] =	vst v63  }
0x72: {  	_ =	swait.ge [sflag:s8], $0x2000  }
0x73: {  	[sflag:s8] =	ssyncset.done $0x0  }
0x74: {  	[sflag:s8] =	ssyncadd.s32 $0xFFFFE000  }
0x75: {  	_ =	swait.ge [sflag:s18], $0x2000  }
0x76: {  	[sflag:s18] =	ssyncset.done $0x0  }
0x77: {  	s25 =	sadd.s32 s22, s6;
	[sflag:s18] =	ssyncadd.s32 $0xFFFFE000  }
0x78: {  	[hbm4b:s25+s2] =	stream.linear.scatter [tilespmem:s11], [sflag:$0x2], $0x2000, $0x38;
	[tilespmem:$0x13400] =	vst v63  }
0x79: {  	_ =	swait.ge [sflag:s8], $0x2000  }
0x7a: {  	[sflag:s8] =	ssyncset.done $0x0  }
0x7b: {  	[sflag:s8] =	ssyncadd.s32 $0xFFFFE000  }
0x7c: {  	_ =	swait.ge [sflag:s18], $0x2000  }
0x7d: {  	s26 =	rddreg [dreg:$0x7];
	[sflag:s18] =	ssyncset.done $0x0  }
0x7e: {  	[sflag:s18] =	ssyncadd.s32 $0xFFFFE000;
	s23 =	sadd.s32 s22, s26  }
0x7f: {  	[hbm4b:s23+s2] =	stream.linear.scatter [tilespmem:s12], [sflag:$0x2], $0x2000, $0x38;
	[tilespmem:$0x13400] =	vst v63  }
0x80: {  	_ =	swait.ge [sflag:s8], $0x2000  }
0x81: {  	[sflag:s8] =	ssyncset.done $0x0  }
0x82: {  	[sflag:s8] =	ssyncadd.s32 $0xFFFFE000  }
0x83: {  	_ =	swait.ge [sflag:s18], $0x2000  }
0x84: {  	s28 =	rddreg [dreg:$0x6];
	[sflag:s18] =	ssyncset.done $0x0  }
0x85: {  	[sflag:s18] =	ssyncadd.s32 $0xFFFFE000;
	s23 =	sadd.s32 s22, s28  }
0x86: {  	[hbm4b:s23+s2] =	stream.linear.scatter [tilespmem:s13], [sflag:$0x2], $0x2000, $0x38;
	[tilespmem:$0x13400] =	vst v63  }
0x87: {  	_ =	swait.ge [sflag:s8], $0x2000  }
0x88: {  	[sflag:s8] =	ssyncset.done $0x0  }
0x89: {  	[sflag:s8] =	ssyncadd.s32 $0xFFFFE000  }
0x8a: {  	_ =	swait.ge [sflag:s18], $0x2000  }
0x8b: {  	s29 =	rddreg [dreg:$0x5];
	[sflag:s18] =	ssyncset.done $0x0  }
0x8c: {  	[sflag:s18] =	ssyncadd.s32 $0xFFFFE000;
	s23 =	sadd.s32 s22, s29  }
0x8d: {  	[hbm4b:s23+s2] =	stream.linear.scatter [tilespmem:s14], [sflag:$0x2], $0x2000, $0x38;
	[tilespmem:$0x13400] =	vst v63  }
0x8e: {  	_ =	swait.ge [sflag:s8], $0x2000  }
0x8f: {  	[sflag:s8] =	ssyncset.done $0x0  }
0x90: {  	[sflag:s8] =	ssyncadd.s32 $0xFFFFE000  }
0x91: {  	_ =	swait.ge [sflag:s18], $0x2000  }
0x92: {  	s30 =	rddreg [dreg:$0x4];
	[sflag:s18] =	ssyncset.done $0x0  }
0x93: {  	[sflag:s18] =	ssyncadd.s32 $0xFFFFE000;
	s23 =	sadd.s32 s22, s30  }
0x94: {  	[hbm4b:s23+s2] =	stream.linear.scatter [tilespmem:s15], [sflag:$0x2], $0x2000, $0x38;
	[tilespmem:$0x13400] =	vst v63  }
0x95: {  	_ =	swait.ge [sflag:s8], $0x2000  }
0x96: {  	[sflag:s8] =	ssyncset.done $0x0  }
0x97: {  	[sflag:s8] =	ssyncadd.s32 $0xFFFFE000  }
0x98: {  	_ =	swait.ge [sflag:s18], $0x2000  }
0x99: {  	s31 =	rddreg [dreg:$0x3];
	[sflag:s18] =	ssyncset.done $0x0  }
0x9a: {  	[sflag:s18] =	ssyncadd.s32 $0xFFFFE000;
	s23 =	sadd.s32 s22, s31  }
0x9b: {  	[hbm4b:s23+s2] =	stream.linear.scatter [tilespmem:s16], [sflag:$0x2], $0x2000, $0x38;
	[tilespmem:$0x13400] =	vst v63  }
0x9c: {  	_ =	swait.ge [sflag:s8], $0x2000  }
0x9d: {  	[sflag:s8] =	ssyncset.done $0x0  }
0x9e: {  	[sflag:s8] =	ssyncadd.s32 $0xFFFFE000  }
0x9f: {  	p0 =	sne.s32 s20, $0x18000;
	_ =	swait.ge [sflag:s18], $0x2000  }
.Ltmp0:
0xa0: {  	[sflag:s18] =	ssyncset.done $0x0;
	(pc) =	sbr.rel @p0 .LBB2_2-.Ltmp0, $4  }
0xa1: {  	s22 =	sadd.s32 s22, s7;
	[sflag:s18] =	ssyncadd.s32 $0xFFFFE000  }
0xa2: {  	[hbm4b:s22+s2] =	stream.linear.scatter [tilespmem:s17], [sflag:$0x2], $0x2000, $0x38;
	[tilespmem:$0x13400] =	vst v63  }
0xa3: {  	_ =	swait.ge [sflag:s8], $0x2000  }
0xa4: {  	s20 =	sadd.s32 $0x2000, s20;
	[sflag:s8] =	ssyncset.done $0x0  }
0xa5: {  	s19 =	sadd.s32 $0x1, s19  }
0xa6: {  	p0 =	sne.s32 s19, s5  }
.Ltmp1:
0xa7: {  	_ = 	snop;
	(pc) =	sbr.rel @p0 .LBB2_1-.Ltmp1, $2  }
0xa8: {  	_ =	sdelay $0x2  }
0xa9: {  	[sflag:s8] =	ssyncadd.s32 $0xFFFFE000  }
0xaa: {  	_ =	sfence.sel $0x180000  }
0xab: {  	[bflag:$0x0] =	sbarrier.arrive $0xFFFF  }
0xac: {  	p0 =	sne.s32 s0, $0x0;
	_ =	strace $0x90000047  }
0xad: {  	s0 =	sadd.s32 @!p0 $0x100000, s1;
	[bflag:$0x2] =	sbarrier.arrive $0xFFFF  }
0xae: {  	[sflag:s0] =	ssyncadd.tile.s32 @!p0 $0x1;
	_ =	shalt  }
.Lfunc_end2:
_tile_overlayer_lowered:
.L_overlay_start_2:
0xaf: {  	(tag) =	ssettag $0x2  }
0xb0: {  	s0 =	rddreg [dreg:$0x0];
	s2 =	stileid.u32  }
0xb1: {  	s1 =	rddreg [dreg:$0x1];
	p0 =	sne.s32 s2, $0x0  }
0xb2: {  	s3 =	rddreg [dreg:$0x2];
	[bflag:$0x3] =	sbarrier.arrive $0xFFFF;
	s2 =	simm.s32 @!p0 $0x1C02  }
0xb3: {  	[timem:s3], [sflag:s2] =	dma.local @!p0 [hbm:s0], s1  }
0xb4: {  	s0 =	simm.s32 @!p0 $0x2  }
0xb5: {  	_ =	swait.ge @!p0 [sflag:s0], s1  }
0xb6: {  	s1 =	ssub.s32 @!p0 $0x0, s1;
	[sflag:s0] =	ssyncset.done @!p0 $0x0  }
0xb7: {  	[sflag:s0] =	ssyncadd.s32 @!p0 s1  }
0xb8: {  	[bflag:$0x3] =	sbarrier.arrive $0xFFFF  }
0xb9: {  	_ =	shalt  }

</sc_bundles>
